<compile_context>
chip_gen: v7x
topology: tpu7x:2x2x1
jax: 0.10.2.dev20260603
libtpu: 0.0.44.dev20260713+nightly
codegen_flags: <defaults>
</compile_context>

<pallas_src>
import jax
import jax.numpy as jnp
from jax import lax
from jax.experimental import pallas as pl
from jax.experimental.pallas import tpu as pltpu
from jax.experimental.pallas import tpu_sc as plsc

_BLK = 16384

_NC = 2
_NS = 16
_NW = _NC * _NS

_SC_PARAMS = pltpu.CompilerParams(needs_layout_passes=False)


def _mlp_body(xt_ref, w1t_ref, b1_ref, w2at_ref, w2bt_ref, b2_ref,
              s_ref, r_ref, g_ref, b_ref):
    xt = xt_ref[...]
    featst = lax.dot_general(
        w1t_ref[...], xt, (((1,), (0,)), ((), ())),
        preferred_element_type=jnp.float32)
    featst = jnp.maximum(featst + b1_ref[...], 0.0)
    out2t = lax.dot_general(
        w2at_ref[...], featst, (((1,), (0,)), ((), ())),
        preferred_element_type=jnp.float32)
    out2t = out2t + lax.dot_general(
        w2bt_ref[...], xt, (((1,), (0,)), ((), ())),
        preferred_element_type=jnp.float32)
    out2t = out2t + b2_ref[...]
    st = jnp.maximum(out2t[0:1, :], 0.0) * (-xt[6:7, :])
    rgbt = jax.nn.sigmoid(out2t[1:4, :])
    s_ref[...] = st.reshape(_BLK)
    r_ref[...] = rgbt[0:1, :].reshape(_BLK)
    g_ref[...] = rgbt[1:2, :].reshape(_BLK)
    b_ref[...] = rgbt[2:3, :].reshape(_BLK)


def _run_mlp(xt, w1t, b1, w2at, w2bt, b2):
    n = xt.shape[1]
    grid = n // _BLK
    vec = jax.ShapeDtypeStruct((n,), jnp.float32)
    return pl.pallas_call(
        _mlp_body,
        grid=(grid,),
        in_specs=[
            pl.BlockSpec((7, _BLK), lambda i: (0, i)),
            pl.BlockSpec((32, 7), lambda i: (0, 0)),
            pl.BlockSpec((32, 1), lambda i: (0, 0)),
            pl.BlockSpec((4, 32), lambda i: (0, 0)),
            pl.BlockSpec((4, 7), lambda i: (0, 0)),
            pl.BlockSpec((4, 1), lambda i: (0, 0)),
        ],
        out_specs=[pl.BlockSpec((_BLK,), lambda i: (i,))] * 4,
        out_shape=[vec, vec, vec, vec],
    )(xt, w1t, b1, w2at, w2bt, b2)


def _render_body(s_hbm, r_hbm, g_hbm, b_hbm, bg_hbm, out_hbm,
                 s_v, r_v, g_v, b_v, bg_v, out_v, sem):
    wid = lax.axis_index("s") * _NC + lax.axis_index("c")
    spw = (8192 // _NW) * 64
    base = wid * spw
    c1 = pltpu.make_async_copy(s_hbm.at[pl.ds(base, spw)], s_v, sem)
    c2 = pltpu.make_async_copy(r_hbm.at[pl.ds(base, spw)], r_v, sem)
    c3 = pltpu.make_async_copy(g_hbm.at[pl.ds(base, spw)], g_v, sem)
    c4 = pltpu.make_async_copy(b_hbm.at[pl.ds(base, spw)], b_v, sem)
    c1.start(); c2.start(); c3.start(); c4.start()
    pltpu.sync_copy(bg_hbm, bg_v)
    c1.wait(); c2.wait(); c3.wait(); c4.wait()

    lanes = lax.iota(jnp.int32, 16)
    ray_word = lanes * 64

    def group(gi, _):
        idx0 = ray_word + gi * (16 * 64)
        t = jnp.ones((16,), jnp.float32)
        zeros = jnp.zeros((16,), jnp.float32)
        ar, ag, ab, aw = zeros, zeros, zeros, zeros
        for i in range(64):
            idx = idx0 + i
            e = jnp.exp(plsc.load_gather(s_v, [idx]))
            r = plsc.load_gather(r_v, [idx])
            g = plsc.load_gather(g_v, [idx])
            b = plsc.load_gather(b_v, [idx])
            w = (1.0 - e) * t
            t = t * e
            ar = ar + w * r
            ag = ag + w * g
            ab = ab + w * b
            aw = aw + w

        rem = 1.0 - aw
        orow = (gi * 16 + lanes) * 3
        plsc.store_scatter(out_v, [orow], ar + bg_v[pl.ds(0, 16)] * rem)
        plsc.store_scatter(out_v, [orow + 1], ag + bg_v[pl.ds(16, 16)] * rem)
        plsc.store_scatter(out_v, [orow + 2], ab + bg_v[pl.ds(32, 16)] * rem)
        return 0

    lax.fori_loop(0, 8192 // _NW // 16, group, 0)

    rpw = 8192 // _NW
    pltpu.sync_copy(out_v, out_hbm.at[pl.ds(wid * rpw * 3, rpw * 3)])


def _run_render(s, r, g, b, bg48, n_rays):
    mesh = plsc.VectorSubcoreMesh(core_axis_name="c", subcore_axis_name="s")
    spw = (n_rays // _NW) * 64
    rpw = n_rays // _NW
    kern = pl.kernel(
        _render_body,
        out_type=jax.ShapeDtypeStruct((n_rays * 3,), jnp.float32),
        mesh=mesh,
        scratch_types=[
            pltpu.VMEM((spw,), jnp.float32),
            pltpu.VMEM((spw,), jnp.float32),
            pltpu.VMEM((spw,), jnp.float32),
            pltpu.VMEM((spw,), jnp.float32),
            pltpu.VMEM((48,), jnp.float32),
            pltpu.VMEM((rpw * 3,), jnp.float32),
            pltpu.SemaphoreType.DMA,
        ],
        compiler_params=_SC_PARAMS,
    )
    return kern(s, r, g, b, bg48)


@jax.jit
def kernel(packed_samples, packing_info, W_feat, b_feat, W_sigma, b_sigma,
           W_rgb, b_rgb, bg_color):
    n_rays = packing_info.shape[0]
    w1t = jnp.concatenate(
        [W_feat.T, jnp.zeros((32, 4), jnp.float32)], axis=1)
    b1 = b_feat[:, None]
    w2at = jnp.concatenate([W_sigma, W_rgb[:32]], axis=1).T
    w2bt = jnp.zeros((4, 7), jnp.float32)
    w2bt = w2bt.at[1:4, 3:6].set(W_rgb[32:35].T)
    b2 = jnp.concatenate([b_sigma, b_rgb])[:, None]

    xt = packed_samples.T
    s, r, g, b = _run_mlp(xt, w1t, b1, w2at, w2bt, b2)

    bg48 = jnp.repeat(bg_color, 16)
    out = _run_render(s, r, g, b, bg48, n_rays)
    return out.reshape(n_rays, 3)

# --- scband reference (transcript-rebuilt; emitter-appended) ---
"""Pipeline reference for scband-nerf-renderer-45019847197223 (READ-ONLY COPY).

The authoritative reference and input builder live on the scoring server;
editing this copy changes nothing except your own understanding.
"""

import jax, jax.numpy as jnp
import numpy as np

N_RAYS = 8192
S = 64
N_SAMPLES = N_RAYS * S
FEAT_DIM = 32


def setup_inputs(seed: int = 0) -> dict:
    key = jax.random.key(seed)
    ks = jax.random.split(key, 6)
    packed_samples = jax.random.uniform(ks[0], (N_SAMPLES, 7), dtype=jnp.float32)
    # column 6 holds the step sizes (deltas); keep them small and positive
    packed_samples = packed_samples.at[:, 6].set(packed_samples[:, 6] * 0.05 + 0.001)
    starts = jnp.arange(N_RAYS, dtype=jnp.int32) * S
    counts = jnp.full((N_RAYS,), S, dtype=jnp.int32)
    packing_info = jnp.stack([starts, counts], axis=1)
    W_feat = jax.random.normal(ks[1], (3, FEAT_DIM), dtype=jnp.float32) * 0.5
    b_feat = jnp.zeros((FEAT_DIM,), dtype=jnp.float32)
    W_sigma = jax.random.normal(ks[2], (FEAT_DIM, 1), dtype=jnp.float32) * 0.3
    b_sigma = jnp.zeros((1,), dtype=jnp.float32)
    W_rgb = jax.random.normal(ks[3], (FEAT_DIM + 3, 3), dtype=jnp.float32) * 0.3
    b_rgb = jnp.zeros((3,), dtype=jnp.float32)
    bg_color = jnp.ones((3,), dtype=jnp.float32)
    return {"packed_samples": packed_samples, "packing_info": packing_info,
            "W_feat": W_feat, "b_feat": b_feat, "W_sigma": W_sigma, "b_sigma": b_sigma,
            "W_rgb": W_rgb, "b_rgb": b_rgb, "bg_color": bg_color}


def reference(packed_samples, packing_info, W_feat, b_feat, W_sigma, b_sigma, W_rgb, b_rgb, bg_color):
    n_rays = packing_info.shape[0]
    n_samples = packed_samples.shape[0]
    s_per_ray = n_samples // n_rays  # uniform packing (counts are all equal)

    pos = packed_samples[:, :3]
    dirs = packed_samples[:, 3:6]
    # NerfWeights.backward returns None grad for steps -> stop_gradient
    deltas = jax.lax.stop_gradient(packed_samples[:, 6])

    # feature_module: MLP on positions
    feats = jax.nn.relu(pos @ W_feat + b_feat)
    # sigma_decoder + squeeze; relu keeps densities non-negative
    sigmas = jax.nn.relu((feats @ W_sigma + b_sigma)[:, 0])

    # NerfWeights fwd: per-ray volumetric rendering weights
    # alpha_i = 1 - exp(-sigma_i * delta_i); T_i = exp(-sum_{j<i} sigma_j*delta_j)
    s = (sigmas * deltas).reshape(n_rays, s_per_ray)
    alpha = 1.0 - jnp.exp(-s)
    trans = jnp.exp(-(jnp.cumsum(s, axis=1) - s))  # exclusive cumsum
    weights = (alpha * trans).reshape(-1)

    # rgb_decoder on (features, view dirs); masked rgbs * weights == rgbs * weights
    # since weight==0 entries contribute zero either way (threshold = 0.0)
    rgb = jax.nn.sigmoid(jnp.concatenate([feats, dirs], axis=1) @ W_rgb + b_rgb)
    samples_rgbs = rgb * weights[:, None]

    # index_add_ over repeat_interleave(arange(n_rays), counts)
    indices = jnp.repeat(jnp.arange(n_rays), s_per_ray)
    rendered_rgbs = jax.ops.segment_sum(samples_rgbs, indices, num_segments=n_rays)
    opacities = jax.ops.segment_sum(weights, indices, num_segments=n_rays)
    rendered_rgbs = rendered_rgbs + bg_color[None, :] * (1.0 - opacities[:, None])
    return rendered_rgbs

if __name__ == "__main__":
    import jax
    _d = setup_inputs()
    print(jax.jit(kernel)(*tuple(_d.values())))

</pallas_src>

<mosaic_0001>
#map = affine_map<(d0, d1) -> (0)>
module attributes {stable_mosaic.version = 14 : i64} {
  func.func @_render_body(%arg0: i32, %arg1: i32, %arg2: memref<524288xf32, #tpu.memory_space<hbm>>, %arg3: memref<524288xf32, #tpu.memory_space<hbm>>, %arg4: memref<524288xf32, #tpu.memory_space<hbm>>, %arg5: memref<524288xf32, #tpu.memory_space<hbm>>, %arg6: memref<48xf32, #tpu.memory_space<hbm>>, %arg7: memref<24576xf32, #tpu.memory_space<hbm>>, %arg8: memref<16384xf32, #tpu.memory_space<vmem>>, %arg9: memref<16384xf32, #tpu.memory_space<vmem>>, %arg10: memref<16384xf32, #tpu.memory_space<vmem>>, %arg11: memref<16384xf32, #tpu.memory_space<vmem>>, %arg12: memref<48xf32, #tpu.memory_space<vmem>>, %arg13: memref<768xf32, #tpu.memory_space<vmem>>, %arg14: memref<!tpu.dma_semaphore, #tpu.memory_space<semaphore_mem>>) attributes {dimension_semantics = [#tpu.dimension_semantics<core_parallel>, #tpu.dimension_semantics<subcore_parallel>], iteration_bounds = array<i64: 2, 16>, scalar_prefetch = 0 : i64, scratch_operands = 7 : i64, tpu.core_type = #tpu.core_type<sc_vector_subcore>, window_params = [{transform_indices = #map}, {transform_indices = #map}, {transform_indices = #map}, {transform_indices = #map}, {transform_indices = #map}, {transform_indices = #map}]} {
    %mul3A = arith.constant 2 : i32
    %mul3A_0 = arith.muli %arg1, %mul3A : i32
    %add3A = arith.addi %mul3A_0, %arg0 : i32
    %mul3A_1 = arith.constant 16384 : i32
    %mul3A_2 = arith.muli %add3A, %mul3A_1 : i32
    %dma_start3A = tpu.memref_slice %arg2[%mul3A_2] : memref<524288xf32, #tpu.memory_space<hbm>> -> memref<16384xf32, #tpu.memory_space<hbm>>
    %dma_start3A_3 = tpu.memref_slice %arg2[%mul3A_2] : memref<524288xf32, #tpu.memory_space<hbm>> -> memref<16384xf32, #tpu.memory_space<hbm>>
    tpu.enqueue_dma source(%dma_start3A_3 : memref<16384xf32, #tpu.memory_space<hbm>>) target(%arg8 : memref<16384xf32, #tpu.memory_space<vmem>>) target_semaphore(%arg14 : memref<!tpu.dma_semaphore, #tpu.memory_space<semaphore_mem>>)
    %dma_start3A_4 = tpu.memref_slice %arg3[%mul3A_2] : memref<524288xf32, #tpu.memory_space<hbm>> -> memref<16384xf32, #tpu.memory_space<hbm>>
    %dma_start3A_5 = tpu.memref_slice %arg3[%mul3A_2] : memref<524288xf32, #tpu.memory_space<hbm>> -> memref<16384xf32, #tpu.memory_space<hbm>>
    tpu.enqueue_dma source(%dma_start3A_5 : memref<16384xf32, #tpu.memory_space<hbm>>) target(%arg9 : memref<16384xf32, #tpu.memory_space<vmem>>) target_semaphore(%arg14 : memref<!tpu.dma_semaphore, #tpu.memory_space<semaphore_mem>>)
    %dma_start3A_6 = tpu.memref_slice %arg4[%mul3A_2] : memref<524288xf32, #tpu.memory_space<hbm>> -> memref<16384xf32, #tpu.memory_space<hbm>>
    %dma_start3A_7 = tpu.memref_slice %arg4[%mul3A_2] : memref<524288xf32, #tpu.memory_space<hbm>> -> memref<16384xf32, #tpu.memory_space<hbm>>
    tpu.enqueue_dma source(%dma_start3A_7 : memref<16384xf32, #tpu.memory_space<hbm>>) target(%arg10 : memref<16384xf32, #tpu.memory_space<vmem>>) target_semaphore(%arg14 : memref<!tpu.dma_semaphore, #tpu.memory_space<semaphore_mem>>)
    %dma_start3A_8 = tpu.memref_slice %arg5[%mul3A_2] : memref<524288xf32, #tpu.memory_space<hbm>> -> memref<16384xf32, #tpu.memory_space<hbm>>
    %dma_start3A_9 = tpu.memref_slice %arg5[%mul3A_2] : memref<524288xf32, #tpu.memory_space<hbm>> -> memref<16384xf32, #tpu.memory_space<hbm>>
    tpu.enqueue_dma source(%dma_start3A_9 : memref<16384xf32, #tpu.memory_space<hbm>>) target(%arg11 : memref<16384xf32, #tpu.memory_space<vmem>>) target_semaphore(%arg14 : memref<!tpu.dma_semaphore, #tpu.memory_space<semaphore_mem>>)
    "tpu.region"() ({
      %run_scoped3A = tpu.sem_alloc : memref<!tpu.dma_semaphore, #tpu.memory_space<semaphore_mem>>
      tpu.enqueue_dma source(%arg6 : memref<48xf32, #tpu.memory_space<hbm>>) target(%arg12 : memref<48xf32, #tpu.memory_space<vmem>>) target_semaphore(%run_scoped3A : memref<!tpu.dma_semaphore, #tpu.memory_space<semaphore_mem>>)
      tpu.wait_dma2 semaphore(%run_scoped3A : memref<!tpu.dma_semaphore, #tpu.memory_space<semaphore_mem>>) src(%arg6 : memref<48xf32, #tpu.memory_space<hbm>>) dst(%arg12 : memref<48xf32, #tpu.memory_space<vmem>>)
      tpu.yield
    }) : () -> ()
    %dma_wait3A = tpu.memref_slice %arg2[%mul3A_2] : memref<524288xf32, #tpu.memory_space<hbm>> -> memref<16384xf32, #tpu.memory_space<hbm>>
    %dma_wait3A_10 = tpu.memref_slice %arg2[%mul3A_2] : memref<524288xf32, #tpu.memory_space<hbm>> -> memref<16384xf32, #tpu.memory_space<hbm>>
    tpu.wait_dma2 semaphore(%arg14 : memref<!tpu.dma_semaphore, #tpu.memory_space<semaphore_mem>>) src(%dma_wait3A_10 : memref<16384xf32, #tpu.memory_space<hbm>>) dst(%arg8 : memref<16384xf32, #tpu.memory_space<vmem>>)
    %dma_wait3A_11 = tpu.memref_slice %arg3[%mul3A_2] : memref<524288xf32, #tpu.memory_space<hbm>> -> memref<16384xf32, #tpu.memory_space<hbm>>
    %dma_wait3A_12 = tpu.memref_slice %arg3[%mul3A_2] : memref<524288xf32, #tpu.memory_space<hbm>> -> memref<16384xf32, #tpu.memory_space<hbm>>
    tpu.wait_dma2 semaphore(%arg14 : memref<!tpu.dma_semaphore, #tpu.memory_space<semaphore_mem>>) src(%dma_wait3A_12 : memref<16384xf32, #tpu.memory_space<hbm>>) dst(%arg9 : memref<16384xf32, #tpu.memory_space<vmem>>)
    %dma_wait3A_13 = tpu.memref_slice %arg4[%mul3A_2] : memref<524288xf32, #tpu.memory_space<hbm>> -> memref<16384xf32, #tpu.memory_space<hbm>>
    %dma_wait3A_14 = tpu.memref_slice %arg4[%mul3A_2] : memref<524288xf32, #tpu.memory_space<hbm>> -> memref<16384xf32, #tpu.memory_space<hbm>>
    tpu.wait_dma2 semaphore(%arg14 : memref<!tpu.dma_semaphore, #tpu.memory_space<semaphore_mem>>) src(%dma_wait3A_14 : memref<16384xf32, #tpu.memory_space<hbm>>) dst(%arg10 : memref<16384xf32, #tpu.memory_space<vmem>>)
    %dma_wait3A_15 = tpu.memref_slice %arg5[%mul3A_2] : memref<524288xf32, #tpu.memory_space<hbm>> -> memref<16384xf32, #tpu.memory_space<hbm>>
    %dma_wait3A_16 = tpu.memref_slice %arg5[%mul3A_2] : memref<524288xf32, #tpu.memory_space<hbm>> -> memref<16384xf32, #tpu.memory_space<hbm>>
    tpu.wait_dma2 semaphore(%arg14 : memref<!tpu.dma_semaphore, #tpu.memory_space<semaphore_mem>>) src(%dma_wait3A_16 : memref<16384xf32, #tpu.memory_space<hbm>>) dst(%arg11 : memref<16384xf32, #tpu.memory_space<vmem>>)
    %iota3A = tpu.iota {dimensions = array<i32: 0>} : vector<16xi32>
    %mul3A_17 = arith.constant 64 : i32
    %mul3A_18 = vector.broadcast %mul3A_17 : i32 to vector<16xi32>
    %mul3A_19 = arith.muli %iota3A, %mul3A_18 : vector<16xi32>
    %scan3A = arith.constant 0 : i32
    %scan3A_20 = arith.constant 0 : i32
    %scan3A_21 = arith.constant 16 : i32
    %scan3A_22 = arith.addi %scan3A_20, %scan3A_21 : i32
    %scan3A_23 = arith.constant 1 : i32
    %scan3A_24 = scf.for %scan3A_30 = %scan3A_20 to %scan3A_22 step %scan3A_23 iter_args(%scan3A_31 = %scan3A) -> (i32)  : i32 {
      %mul3A_32 = arith.constant 1024 : i32
      %mul3A_33 = arith.muli %scan3A_30, %mul3A_32 : i32
      %add3A_34 = vector.broadcast %mul3A_33 : i32 to vector<16xi32>
      %add3A_35 = arith.addi %mul3A_19, %add3A_34 : vector<16xi32>
      %broadcast_in_dim3A = arith.constant 1.000000e+00 : f32
      %broadcast_in_dim3A_36 = vector.broadcast %broadcast_in_dim3A : f32 to vector<16xf32>
      %broadcast_in_dim3A_37 = arith.constant 0.000000e+00 : f32
      %broadcast_in_dim3A_38 = vector.broadcast %broadcast_in_dim3A_37 : f32 to vector<16xf32>
      %add3A_39 = arith.constant 0 : i32
      %add3A_40 = vector.broadcast %add3A_39 : i32 to vector<16xi32>
      %add3A_41 = arith.addi %add3A_35, %add3A_40 : vector<16xi32>
      %gather3A = tpu.vector_load_idx %arg8[%add3A_41] : memref<16384xf32, #tpu.memory_space<vmem>>[vector<16xi32>], vector<16xf32>,
      %exp3A = math.exp %gather3A : vector<16xf32>
      %gather3A_42 = tpu.vector_load_idx %arg9[%add3A_41] : memref<16384xf32, #tpu.memory_space<vmem>>[vector<16xi32>], vector<16xf32>,
      %gather3A_43 = tpu.vector_load_idx %arg10[%add3A_41] : memref<16384xf32, #tpu.memory_space<vmem>>[vector<16xi32>], vector<16xf32>,
      %gather3A_44 = tpu.vector_load_idx %arg11[%add3A_41] : memref<16384xf32, #tpu.memory_space<vmem>>[vector<16xi32>], vector<16xf32>,
      %sub3A = arith.constant 1.000000e+00 : f32
      %sub3A_45 = vector.broadcast %sub3A : f32 to vector<16xf32>
      %sub3A_46 = arith.subf %sub3A_45, %exp3A : vector<16xf32>
      %mul3A_47 = arith.mulf %sub3A_46, %broadcast_in_dim3A_36 : vector<16xf32>
      %mul3A_48 = arith.mulf %broadcast_in_dim3A_36, %exp3A : vector<16xf32>
      %mul3A_49 = arith.mulf %mul3A_47, %gather3A_42 : vector<16xf32>
      %add3A_50 = arith.addf %broadcast_in_dim3A_38, %mul3A_49 : vector<16xf32>
      %mul3A_51 = arith.mulf %mul3A_47, %gather3A_43 : vector<16xf32>
      %add3A_52 = arith.addf %broadcast_in_dim3A_38, %mul3A_51 : vector<16xf32>
      %mul3A_53 = arith.mulf %mul3A_47, %gather3A_44 : vector<16xf32>
      %add3A_54 = arith.addf %broadcast_in_dim3A_38, %mul3A_53 : vector<16xf32>
      %add3A_55 = arith.addf %broadcast_in_dim3A_38, %mul3A_47 : vector<16xf32>
      %add3A_56 = arith.constant 1 : i32
      %add3A_57 = vector.broadcast %add3A_56 : i32 to vector<16xi32>
      %add3A_58 = arith.addi %add3A_35, %add3A_57 : vector<16xi32>
      %gather3A_59 = tpu.vector_load_idx %arg8[%add3A_58] : memref<16384xf32, #tpu.memory_space<vmem>>[vector<16xi32>], vector<16xf32>,
      %exp3A_60 = math.exp %gather3A_59 : vector<16xf32>
      %gather3A_61 = tpu.vector_load_idx %arg9[%add3A_58] : memref<16384xf32, #tpu.memory_space<vmem>>[vector<16xi32>], vector<16xf32>,
      %gather3A_62 = tpu.vector_load_idx %arg10[%add3A_58] : memref<16384xf32, #tpu.memory_space<vmem>>[vector<16xi32>], vector<16xf32>,
      %gather3A_63 = tpu.vector_load_idx %arg11[%add3A_58] : memref<16384xf32, #tpu.memory_space<vmem>>[vector<16xi32>], vector<16xf32>,
      %sub3A_64 = arith.constant 1.000000e+00 : f32
      %sub3A_65 = vector.broadcast %sub3A_64 : f32 to vector<16xf32>
      %sub3A_66 = arith.subf %sub3A_65, %exp3A_60 : vector<16xf32>
      %mul3A_67 = arith.mulf %sub3A_66, %mul3A_48 : vector<16xf32>
      %mul3A_68 = arith.mulf %mul3A_48, %exp3A_60 : vector<16xf32>
      %mul3A_69 = arith.mulf %mul3A_67, %gather3A_61 : vector<16xf32>
      %add3A_70 = arith.addf %add3A_50, %mul3A_69 : vector<16xf32>
      %mul3A_71 = arith.mulf %mul3A_67, %gather3A_62 : vector<16xf32>
      %add3A_72 = arith.addf %add3A_52, %mul3A_71 : vector<16xf32>
      %mul3A_73 = arith.mulf %mul3A_67, %gather3A_63 : vector<16xf32>
      %add3A_74 = arith.addf %add3A_54, %mul3A_73 : vector<16xf32>
      %add3A_75 = arith.addf %add3A_55, %mul3A_67 : vector<16xf32>
      %add3A_76 = arith.constant 2 : i32
      %add3A_77 = vector.broadcast %add3A_76 : i32 to vector<16xi32>
      %add3A_78 = arith.addi %add3A_35, %add3A_77 : vector<16xi32>
      %gather3A_79 = tpu.vector_load_idx %arg8[%add3A_78] : memref<16384xf32, #tpu.memory_space<vmem>>[vector<16xi32>], vector<16xf32>,
      %exp3A_80 = math.exp %gather3A_79 : vector<16xf32>
      %gather3A_81 = tpu.vector_load_idx %arg9[%add3A_78] : memref<16384xf32, #tpu.memory_space<vmem>>[vector<16xi32>], vector<16xf32>,
      %gather3A_82 = tpu.vector_load_idx %arg10[%add3A_78] : memref<16384xf32, #tpu.memory_space<vmem>>[vector<16xi32>], vector<16xf32>,
      %gather3A_83 = tpu.vector_load_idx %arg11[%add3A_78] : memref<16384xf32, #tpu.memory_space<vmem>>[vector<16xi32>], vector<16xf32>,
      %sub3A_84 = arith.constant 1.000000e+00 : f32
      %sub3A_85 = vector.broadcast %sub3A_84 : f32 to vector<16xf32>
      %sub3A_86 = arith.subf %sub3A_85, %exp3A_80 : vector<16xf32>
      %mul3A_87 = arith.mulf %sub3A_86, %mul3A_68 : vector<16xf32>
      %mul3A_88 = arith.mulf %mul3A_68, %exp3A_80 : vector<16xf32>
      %mul3A_89 = arith.mulf %mul3A_87, %gather3A_81 : vector<16xf32>
      %add3A_90 = arith.addf %add3A_70, %mul3A_89 : vector<16xf32>
      %mul3A_91 = arith.mulf %mul3A_87, %gather3A_82 : vector<16xf32>
      %add3A_92 = arith.addf %add3A_72, %mul3A_91 : vector<16xf32>
      %mul3A_93 = arith.mulf %mul3A_87, %gather3A_83 : vector<16xf32>
      %add3A_94 = arith.addf %add3A_74, %mul3A_93 : vector<16xf32>
      %add3A_95 = arith.addf %add3A_75, %mul3A_87 : vector<16xf32>
      %add3A_96 = arith.constant 3 : i32
      %add3A_97 = vector.broadcast %add3A_96 : i32 to vector<16xi32>
      %add3A_98 = arith.addi %add3A_35, %add3A_97 : vector<16xi32>
      %gather3A_99 = tpu.vector_load_idx %arg8[%add3A_98] : memref<16384xf32, #tpu.memory_space<vmem>>[vector<16xi32>], vector<16xf32>,
      %exp3A_100 = math.exp %gather3A_99 : vector<16xf32>
      %gather3A_101 = tpu.vector_load_idx %arg9[%add3A_98] : memref<16384xf32, #tpu.memory_space<vmem>>[vector<16xi32>], vector<16xf32>,
      %gather3A_102 = tpu.vector_load_idx %arg10[%add3A_98] : memref<16384xf32, #tpu.memory_space<vmem>>[vector<16xi32>], vector<16xf32>,
      %gather3A_103 = tpu.vector_load_idx %arg11[%add3A_98] : memref<16384xf32, #tpu.memory_space<vmem>>[vector<16xi32>], vector<16xf32>,
      %sub3A_104 = arith.constant 1.000000e+00 : f32
      %sub3A_105 = vector.broadcast %sub3A_104 : f32 to vector<16xf32>
      %sub3A_106 = arith.subf %sub3A_105, %exp3A_100 : vector<16xf32>
      %mul3A_107 = arith.mulf %sub3A_106, %mul3A_88 : vector<16xf32>
      %mul3A_108 = arith.mulf %mul3A_88, %exp3A_100 : vector<16xf32>
      %mul3A_109 = arith.mulf %mul3A_107, %gather3A_101 : vector<16xf32>
      %add3A_110 = arith.addf %add3A_90, %mul3A_109 : vector<16xf32>
      %mul3A_111 = arith.mulf %mul3A_107, %gather3A_102 : vector<16xf32>
      %add3A_112 = arith.addf %add3A_92, %mul3A_111 : vector<16xf32>
      %mul3A_113 = arith.mulf %mul3A_107, %gather3A_103 : vector<16xf32>
      %add3A_114 = arith.addf %add3A_94, %mul3A_113 : vector<16xf32>
      %add3A_115 = arith.addf %add3A_95, %mul3A_107 : vector<16xf32>
      %add3A_116 = arith.constant 4 : i32
      %add3A_117 = vector.broadcast %add3A_116 : i32 to vector<16xi32>
      %add3A_118 = arith.addi %add3A_35, %add3A_117 : vector<16xi32>
      %gather3A_119 = tpu.vector_load_idx %arg8[%add3A_118] : memref<16384xf32, #tpu.memory_space<vmem>>[vector<16xi32>], vector<16xf32>,
      %exp3A_120 = math.exp %gather3A_119 : vector<16xf32>
      %gather3A_121 = tpu.vector_load_idx %arg9[%add3A_118] : memref<16384xf32, #tpu.memory_space<vmem>>[vector<16xi32>], vector<16xf32>,
      %gather3A_122 = tpu.vector_load_idx %arg10[%add3A_118] : memref<16384xf32, #tpu.memory_space<vmem>>[vector<16xi32>], vector<16xf32>,
      %gather3A_123 = tpu.vector_load_idx %arg11[%add3A_118] : memref<16384xf32, #tpu.memory_space<vmem>>[vector<16xi32>], vector<16xf32>,
      %sub3A_124 = arith.constant 1.000000e+00 : f32
      %sub3A_125 = vector.broadcast %sub3A_124 : f32 to vector<16xf32>
      %sub3A_126 = arith.subf %sub3A_125, %exp3A_120 : vector<16xf32>
      %mul3A_127 = arith.mulf %sub3A_126, %mul3A_108 : vector<16xf32>
      %mul3A_128 = arith.mulf %mul3A_108, %exp3A_120 : vector<16xf32>
      %mul3A_129 = arith.mulf %mul3A_127, %gather3A_121 : vector<16xf32>
      %add3A_130 = arith.addf %add3A_110, %mul3A_129 : vector<16xf32>
      %mul3A_131 = arith.mulf %mul3A_127, %gather3A_122 : vector<16xf32>
      %add3A_132 = arith.addf %add3A_112, %mul3A_131 : vector<16xf32>
      %mul3A_133 = arith.mulf %mul3A_127, %gather3A_123 : vector<16xf32>
      %add3A_134 = arith.addf %add3A_114, %mul3A_133 : vector<16xf32>
      %add3A_135 = arith.addf %add3A_115, %mul3A_127 : vector<16xf32>
      %add3A_136 = arith.constant 5 : i32
      %add3A_137 = vector.broadcast %add3A_136 : i32 to vector<16xi32>
      %add3A_138 = arith.addi %add3A_35, %add3A_137 : vector<16xi32>
      %gather3A_139 = tpu.vector_load_idx %arg8[%add3A_138] : memref<16384xf32, #tpu.memory_space<vmem>>[vector<16xi32>], vector<16xf32>,
      %exp3A_140 = math.exp %gather3A_139 : vector<16xf32>
      %gather3A_141 = tpu.vector_load_idx %arg9[%add3A_138] : memref<16384xf32, #tpu.memory_space<vmem>>[vector<16xi32>], vector<16xf32>,
      %gather3A_142 = tpu.vector_load_idx %arg10[%add3A_138] : memref<16384xf32, #tpu.memory_space<vmem>>[vector<16xi32>], vector<16xf32>,
      %gather3A_143 = tpu.vector_load_idx %arg11[%add3A_138] : memref<16384xf32, #tpu.memory_space<vmem>>[vector<16xi32>], vector<16xf32>,
      %sub3A_144 = arith.constant 1.000000e+00 : f32
      %sub3A_145 = vector.broadcast %sub3A_144 : f32 to vector<16xf32>
      %sub3A_146 = arith.subf %sub3A_145, %exp3A_140 : vector<16xf32>
      %mul3A_147 = arith.mulf %sub3A_146, %mul3A_128 : vector<16xf32>
      %mul3A_148 = arith.mulf %mul3A_128, %exp3A_140 : vector<16xf32>
      %mul3A_149 = arith.mulf %mul3A_147, %gather3A_141 : vector<16xf32>
      %add3A_150 = arith.addf %add3A_130, %mul3A_149 : vector<16xf32>
      %mul3A_151 = arith.mulf %mul3A_147, %gather3A_142 : vector<16xf32>
      %add3A_152 = arith.addf %add3A_132, %mul3A_151 : vector<16xf32>
      %mul3A_153 = arith.mulf %mul3A_147, %gather3A_143 : vector<16xf32>
      %add3A_154 = arith.addf %add3A_134, %mul3A_153 : vector<16xf32>
      %add3A_155 = arith.addf %add3A_135, %mul3A_147 : vector<16xf32>
      %add3A_156 = arith.constant 6 : i32
      %add3A_157 = vector.broadcast %add3A_156 : i32 to vector<16xi32>
      %add3A_158 = arith.addi %add3A_35, %add3A_157 : vector<16xi32>
      %gather3A_159 = tpu.vector_load_idx %arg8[%add3A_158] : memref<16384xf32, #tpu.memory_space<vmem>>[vector<16xi32>], vector<16xf32>,
      %exp3A_160 = math.exp %gather3A_159 : vector<16xf32>
      %gather3A_161 = tpu.vector_load_idx %arg9[%add3A_158] : memref<16384xf32, #tpu.memory_space<vmem>>[vector<16xi32>], vector<16xf32>,
      %gather3A_162 = tpu.vector_load_idx %arg10[%add3A_158] : memref<16384xf32, #tpu.memory_space<vmem>>[vector<16xi32>], vector<16xf32>,
      %gather3A_163 = tpu.vector_load_idx %arg11[%add3A_158] : memref<16384xf32, #tpu.memory_space<vmem>>[vector<16xi32>], vector<16xf32>,
      %sub3A_164 = arith.constant 1.000000e+00 : f32
      %sub3A_165 = vector.broadcast %sub3A_164 : f32 to vector<16xf32>
      %sub3A_166 = arith.subf %sub3A_165, %exp3A_160 : vector<16xf32>
      %mul3A_167 = arith.mulf %sub3A_166, %mul3A_148 : vector<16xf32>
      %mul3A_168 = arith.mulf %mul3A_148, %exp3A_160 : vector<16xf32>
      %mul3A_169 = arith.mulf %mul3A_167, %gather3A_161 : vector<16xf32>
      %add3A_170 = arith.addf %add3A_150, %mul3A_169 : vector<16xf32>
      %mul3A_171 = arith.mulf %mul3A_167, %gather3A_162 : vector<16xf32>
      %add3A_172 = arith.addf %add3A_152, %mul3A_171 : vector<16xf32>
      %mul3A_173 = arith.mulf %mul3A_167, %gather3A_163 : vector<16xf32>
      %add3A_174 = arith.addf %add3A_154, %mul3A_173 : vector<16xf32>
      %add3A_175 = arith.addf %add3A_155, %mul3A_167 : vector<16xf32>
      %add3A_176 = arith.constant 7 : i32
      %add3A_177 = vector.broadcast %add3A_176 : i32 to vector<16xi32>
      %add3A_178 = arith.addi %add3A_35, %add3A_177 : vector<16xi32>
      %gather3A_179 = tpu.vector_load_idx %arg8[%add3A_178] : memref<16384xf32, #tpu.memory_space<vmem>>[vector<16xi32>], vector<16xf32>,
      %exp3A_180 = math.exp %gather3A_179 : vector<16xf32>
      %gather3A_181 = tpu.vector_load_idx %arg9[%add3A_178] : memref<16384xf32, #tpu.memory_space<vmem>>[vector<16xi32>], vector<16xf32>,
      %gather3A_182 = tpu.vector_load_idx %arg10[%add3A_178] : memref<16384xf32, #tpu.memory_space<vmem>>[vector<16xi32>], vector<16xf32>,
      %gather3A_183 = tpu.vector_load_idx %arg11[%add3A_178] : memref<16384xf32, #tpu.memory_space<vmem>>[vector<16xi32>], vector<16xf32>,
      %sub3A_184 = arith.constant 1.000000e+00 : f32
      %sub3A_185 = vector.broadcast %sub3A_184 : f32 to vector<16xf32>
      %sub3A_186 = arith.subf %sub3A_185, %exp3A_180 : vector<16xf32>
      %mul3A_187 = arith.mulf %sub3A_186, %mul3A_168 : vector<16xf32>
      %mul3A_188 = arith.mulf %mul3A_168, %exp3A_180 : vector<16xf32>
      %mul3A_189 = arith.mulf %mul3A_187, %gather3A_181 : vector<16xf32>
      %add3A_190 = arith.addf %add3A_170, %mul3A_189 : vector<16xf32>
      %mul3A_191 = arith.mulf %mul3A_187, %gather3A_182 : vector<16xf32>
      %add3A_192 = arith.addf %add3A_172, %mul3A_191 : vector<16xf32>
      %mul3A_193 = arith.mulf %mul3A_187, %gather3A_183 : vector<16xf32>
      %add3A_194 = arith.addf %add3A_174, %mul3A_193 : vector<16xf32>
      %add3A_195 = arith.addf %add3A_175, %mul3A_187 : vector<16xf32>
      %add3A_196 = arith.constant 8 : i32
      %add3A_197 = vector.broadcast %add3A_196 : i32 to vector<16xi32>
      %add3A_198 = arith.addi %add3A_35, %add3A_197 : vector<16xi32>
      %gather3A_199 = tpu.vector_load_idx %arg8[%add3A_198] : memref<16384xf32, #tpu.memory_space<vmem>>[vector<16xi32>], vector<16xf32>,
      %exp3A_200 = math.exp %gather3A_199 : vector<16xf32>
      %gather3A_201 = tpu.vector_load_idx %arg9[%add3A_198] : memref<16384xf32, #tpu.memory_space<vmem>>[vector<16xi32>], vector<16xf32>,
      %gather3A_202 = tpu.vector_load_idx %arg10[%add3A_198] : memref<16384xf32, #tpu.memory_space<vmem>>[vector<16xi32>], vector<16xf32>,
      %gather3A_203 = tpu.vector_load_idx %arg11[%add3A_198] : memref<16384xf32, #tpu.memory_space<vmem>>[vector<16xi32>], vector<16xf32>,
      %sub3A_204 = arith.constant 1.000000e+00 : f32
      %sub3A_205 = vector.broadcast %sub3A_204 : f32 to vector<16xf32>
      %sub3A_206 = arith.subf %sub3A_205, %exp3A_200 : vector<16xf32>
      %mul3A_207 = arith.mulf %sub3A_206, %mul3A_188 : vector<16xf32>
      %mul3A_208 = arith.mulf %mul3A_188, %exp3A_200 : vector<16xf32>
      %mul3A_209 = arith.mulf %mul3A_207, %gather3A_201 : vector<16xf32>
      %add3A_210 = arith.addf %add3A_190, %mul3A_209 : vector<16xf32>
      %mul3A_211 = arith.mulf %mul3A_207, %gather3A_202 : vector<16xf32>
      %add3A_212 = arith.addf %add3A_192, %mul3A_211 : vector<16xf32>
      %mul3A_213 = arith.mulf %mul3A_207, %gather3A_203 : vector<16xf32>
      %add3A_214 = arith.addf %add3A_194, %mul3A_213 : vector<16xf32>
      %add3A_215 = arith.addf %add3A_195, %mul3A_207 : vector<16xf32>
      %add3A_216 = arith.constant 9 : i32
      %add3A_217 = vector.broadcast %add3A_216 : i32 to vector<16xi32>
      %add3A_218 = arith.addi %add3A_35, %add3A_217 : vector<16xi32>
      %gather3A_219 = tpu.vector_load_idx %arg8[%add3A_218] : memref<16384xf32, #tpu.memory_space<vmem>>[vector<16xi32>], vector<16xf32>,
      %exp3A_220 = math.exp %gather3A_219 : vector<16xf32>
      %gather3A_221 = tpu.vector_load_idx %arg9[%add3A_218] : memref<16384xf32, #tpu.memory_space<vmem>>[vector<16xi32>], vector<16xf32>,
      %gather3A_222 = tpu.vector_load_idx %arg10[%add3A_218] : memref<16384xf32, #tpu.memory_space<vmem>>[vector<16xi32>], vector<16xf32>,
      %gather3A_223 = tpu.vector_load_idx %arg11[%add3A_218] : memref<16384xf32, #tpu.memory_space<vmem>>[vector<16xi32>], vector<16xf32>,
      %sub3A_224 = arith.constant 1.000000e+00 : f32
      %sub3A_225 = vector.broadcast %sub3A_224 : f32 to vector<16xf32>
      %sub3A_226 = arith.subf %sub3A_225, %exp3A_220 : vector<16xf32>
      %mul3A_227 = arith.mulf %sub3A_226, %mul3A_208 : vector<16xf32>
      %mul3A_228 = arith.mulf %mul3A_208, %exp3A_220 : vector<16xf32>
      %mul3A_229 = arith.mulf %mul3A_227, %gather3A_221 : vector<16xf32>
      %add3A_230 = arith.addf %add3A_210, %mul3A_229 : vector<16xf32>
      %mul3A_231 = arith.mulf %mul3A_227, %gather3A_222 : vector<16xf32>
      %add3A_232 = arith.addf %add3A_212, %mul3A_231 : vector<16xf32>
      %mul3A_233 = arith.mulf %mul3A_227, %gather3A_223 : vector<16xf32>
      %add3A_234 = arith.addf %add3A_214, %mul3A_233 : vector<16xf32>
      %add3A_235 = arith.addf %add3A_215, %mul3A_227 : vector<16xf32>
      %add3A_236 = arith.constant 10 : i32
      %add3A_237 = vector.broadcast %add3A_236 : i32 to vector<16xi32>
      %add3A_238 = arith.addi %add3A_35, %add3A_237 : vector<16xi32>
      %gather3A_239 = tpu.vector_load_idx %arg8[%add3A_238] : memref<16384xf32, #tpu.memory_space<vmem>>[vector<16xi32>], vector<16xf32>,
      %exp3A_240 = math.exp %gather3A_239 : vector<16xf32>
      %gather3A_241 = tpu.vector_load_idx %arg9[%add3A_238] : memref<16384xf32, #tpu.memory_space<vmem>>[vector<16xi32>], vector<16xf32>,
      %gather3A_242 = tpu.vector_load_idx %arg10[%add3A_238] : memref<16384xf32, #tpu.memory_space<vmem>>[vector<16xi32>], vector<16xf32>,
      %gather3A_243 = tpu.vector_load_idx %arg11[%add3A_238] : memref<16384xf32, #tpu.memory_space<vmem>>[vector<16xi32>], vector<16xf32>,
      %sub3A_244 = arith.constant 1.000000e+00 : f32
      %sub3A_245 = vector.broadcast %sub3A_244 : f32 to vector<16xf32>
      %sub3A_246 = arith.subf %sub3A_245, %exp3A_240 : vector<16xf32>
      %mul3A_247 = arith.mulf %sub3A_246, %mul3A_228 : vector<16xf32>
      %mul3A_248 = arith.mulf %mul3A_228, %exp3A_240 : vector<16xf32>
      %mul3A_249 = arith.mulf %mul3A_247, %gather3A_241 : vector<16xf32>
      %add3A_250 = arith.addf %add3A_230, %mul3A_249 : vector<16xf32>
      %mul3A_251 = arith.mulf %mul3A_247, %gather3A_242 : vector<16xf32>
      %add3A_252 = arith.addf %add3A_232, %mul3A_251 : vector<16xf32>
      %mul3A_253 = arith.mulf %mul3A_247, %gather3A_243 : vector<16xf32>
      %add3A_254 = arith.addf %add3A_234, %mul3A_253 : vector<16xf32>
      %add3A_255 = arith.addf %add3A_235, %mul3A_247 : vector<16xf32>
      %add3A_256 = arith.constant 11 : i32
      %add3A_257 = vector.broadcast %add3A_256 : i32 to vector<16xi32>
      %add3A_258 = arith.addi %add3A_35, %add3A_257 : vector<16xi32>
      %gather3A_259 = tpu.vector_load_idx %arg8[%add3A_258] : memref<16384xf32, #tpu.memory_space<vmem>>[vector<16xi32>], vector<16xf32>,
      %exp3A_260 = math.exp %gather3A_259 : vector<16xf32>
      %gather3A_261 = tpu.vector_load_idx %arg9[%add3A_258] : memref<16384xf32, #tpu.memory_space<vmem>>[vector<16xi32>], vector<16xf32>,
      %gather3A_262 = tpu.vector_load_idx %arg10[%add3A_258] : memref<16384xf32, #tpu.memory_space<vmem>>[vector<16xi32>], vector<16xf32>,
      %gather3A_263 = tpu.vector_load_idx %arg11[%add3A_258] : memref<16384xf32, #tpu.memory_space<vmem>>[vector<16xi32>], vector<16xf32>,
      %sub3A_264 = arith.constant 1.000000e+00 : f32
      %sub3A_265 = vector.broadcast %sub3A_264 : f32 to vector<16xf32>
      %sub3A_266 = arith.subf %sub3A_265, %exp3A_260 : vector<16xf32>
      %mul3A_267 = arith.mulf %sub3A_266, %mul3A_248 : vector<16xf32>
      %mul3A_268 = arith.mulf %mul3A_248, %exp3A_260 : vector<16xf32>
      %mul3A_269 = arith.mulf %mul3A_267, %gather3A_261 : vector<16xf32>
      %add3A_270 = arith.addf %add3A_250, %mul3A_269 : vector<16xf32>
      %mul3A_271 = arith.mulf %mul3A_267, %gather3A_262 : vector<16xf32>
      %add3A_272 = arith.addf %add3A_252, %mul3A_271 : vector<16xf32>
      %mul3A_273 = arith.mulf %mul3A_267, %gather3A_263 : vector<16xf32>
      %add3A_274 = arith.addf %add3A_254, %mul3A_273 : vector<16xf32>
      %add3A_275 = arith.addf %add3A_255, %mul3A_267 : vector<16xf32>
      %add3A_276 = arith.constant 12 : i32
      %add3A_277 = vector.broadcast %add3A_276 : i32 to vector<16xi32>
      %add3A_278 = arith.addi %add3A_35, %add3A_277 : vector<16xi32>
      %gather3A_279 = tpu.vector_load_idx %arg8[%add3A_278] : memref<16384xf32, #tpu.memory_space<vmem>>[vector<16xi32>], vector<16xf32>,
      %exp3A_280 = math.exp %gather3A_279 : vector<16xf32>
      %gather3A_281 = tpu.vector_load_idx %arg9[%add3A_278] : memref<16384xf32, #tpu.memory_space<vmem>>[vector<16xi32>], vector<16xf32>,
      %gather3A_282 = tpu.vector_load_idx %arg10[%add3A_278] : memref<16384xf32, #tpu.memory_space<vmem>>[vector<16xi32>], vector<16xf32>,
      %gather3A_283 = tpu.vector_load_idx %arg11[%add3A_278] : memref<16384xf32, #tpu.memory_space<vmem>>[vector<16xi32>], vector<16xf32>,
      %sub3A_284 = arith.constant 1.000000e+00 : f32
      %sub3A_285 = vector.broadcast %sub3A_284 : f32 to vector<16xf32>
      %sub3A_286 = arith.subf %sub3A_285, %exp3A_280 : vector<16xf32>
      %mul3A_287 = arith.mulf %sub3A_286, %mul3A_268 : vector<16xf32>
      %mul3A_288 = arith.mulf %mul3A_268, %exp3A_280 : vector<16xf32>
      %mul3A_289 = arith.mulf %mul3A_287, %gather3A_281 : vector<16xf32>
      %add3A_290 = arith.addf %add3A_270, %mul3A_289 : vector<16xf32>
      %mul3A_291 = arith.mulf %mul3A_287, %gather3A_282 : vector<16xf32>
      %add3A_292 = arith.addf %add3A_272, %mul3A_291 : vector<16xf32>
      %mul3A_293 = arith.mulf %mul3A_287, %gather3A_283 : vector<16xf32>
      %add3A_294 = arith.addf %add3A_274, %mul3A_293 : vector<16xf32>
      %add3A_295 = arith.addf %add3A_275, %mul3A_287 : vector<16xf32>
      %add3A_296 = arith.constant 13 : i32
      %add3A_297 = vector.broadcast %add3A_296 : i32 to vector<16xi32>
      %add3A_298 = arith.addi %add3A_35, %add3A_297 : vector<16xi32>
      %gather3A_299 = tpu.vector_load_idx %arg8[%add3A_298] : memref<16384xf32, #tpu.memory_space<vmem>>[vector<16xi32>], vector<16xf32>,
      %exp3A_300 = math.exp %gather3A_299 : vector<16xf32>
      %gather3A_301 = tpu.vector_load_idx %arg9[%add3A_298] : memref<16384xf32, #tpu.memory_space<vmem>>[vector<16xi32>], vector<16xf32>,
      %gather3A_302 = tpu.vector_load_idx %arg10[%add3A_298] : memref<16384xf32, #tpu.memory_space<vmem>>[vector<16xi32>], vector<16xf32>,
      %gather3A_303 = tpu.vector_load_idx %arg11[%add3A_298] : memref<16384xf32, #tpu.memory_space<vmem>>[vector<16xi32>], vector<16xf32>,
      %sub3A_304 = arith.constant 1.000000e+00 : f32
      %sub3A_305 = vector.broadcast %sub3A_304 : f32 to vector<16xf32>
      %sub3A_306 = arith.subf %sub3A_305, %exp3A_300 : vector<16xf32>
      %mul3A_307 = arith.mulf %sub3A_306, %mul3A_288 : vector<16xf32>
      %mul3A_308 = arith.mulf %mul3A_288, %exp3A_300 : vector<16xf32>
      %mul3A_309 = arith.mulf %mul3A_307, %gather3A_301 : vector<16xf32>
      %add3A_310 = arith.addf %add3A_290, %mul3A_309 : vector<16xf32>
      %mul3A_311 = arith.mulf %mul3A_307, %gather3A_302 : vector<16xf32>
      %add3A_312 = arith.addf %add3A_292, %mul3A_311 : vector<16xf32>
      %mul3A_313 = arith.mulf %mul3A_307, %gather3A_303 : vector<16xf32>
      %add3A_314 = arith.addf %add3A_294, %mul3A_313 : vector<16xf32>
      %add3A_315 = arith.addf %add3A_295, %mul3A_307 : vector<16xf32>
      %add3A_316 = arith.constant 14 : i32
      %add3A_317 = vector.broadcast %add3A_316 : i32 to vector<16xi32>
      %add3A_318 = arith.addi %add3A_35, %add3A_317 : vector<16xi32>
      %gather3A_319 = tpu.vector_load_idx %arg8[%add3A_318] : memref<16384xf32, #tpu.memory_space<vmem>>[vector<16xi32>], vector<16xf32>,
      %exp3A_320 = math.exp %gather3A_319 : vector<16xf32>
      %gather3A_321 = tpu.vector_load_idx %arg9[%add3A_318] : memref<16384xf32, #tpu.memory_space<vmem>>[vector<16xi32>], vector<16xf32>,
      %gather3A_322 = tpu.vector_load_idx %arg10[%add3A_318] : memref<16384xf32, #tpu.memory_space<vmem>>[vector<16xi32>], vector<16xf32>,
      %gather3A_323 = tpu.vector_load_idx %arg11[%add3A_318] : memref<16384xf32, #tpu.memory_space<vmem>>[vector<16xi32>], vector<16xf32>,
      %sub3A_324 = arith.constant 1.000000e+00 : f32
      %sub3A_325 = vector.broadcast %sub3A_324 : f32 to vector<16xf32>
      %sub3A_326 = arith.subf %sub3A_325, %exp3A_320 : vector<16xf32>
      %mul3A_327 = arith.mulf %sub3A_326, %mul3A_308 : vector<16xf32>
      %mul3A_328 = arith.mulf %mul3A_308, %exp3A_320 : vector<16xf32>
      %mul3A_329 = arith.mulf %mul3A_327, %gather3A_321 : vector<16xf32>
      %add3A_330 = arith.addf %add3A_310, %mul3A_329 : vector<16xf32>
      %mul3A_331 = arith.mulf %mul3A_327, %gather3A_322 : vector<16xf32>
      %add3A_332 = arith.addf %add3A_312, %mul3A_331 : vector<16xf32>
      %mul3A_333 = arith.mulf %mul3A_327, %gather3A_323 : vector<16xf32>
      %add3A_334 = arith.addf %add3A_314, %mul3A_333 : vector<16xf32>
      %add3A_335 = arith.addf %add3A_315, %mul3A_327 : vector<16xf32>
      %add3A_336 = arith.constant 15 : i32
      %add3A_337 = vector.broadcast %add3A_336 : i32 to vector<16xi32>
      %add3A_338 = arith.addi %add3A_35, %add3A_337 : vector<16xi32>
      %gather3A_339 = tpu.vector_load_idx %arg8[%add3A_338] : memref<16384xf32, #tpu.memory_space<vmem>>[vector<16xi32>], vector<16xf32>,
      %exp3A_340 = math.exp %gather3A_339 : vector<16xf32>
      %gather3A_341 = tpu.vector_load_idx %arg9[%add3A_338] : memref<16384xf32, #tpu.memory_space<vmem>>[vector<16xi32>], vector<16xf32>,
      %gather3A_342 = tpu.vector_load_idx %arg10[%add3A_338] : memref<16384xf32, #tpu.memory_space<vmem>>[vector<16xi32>], vector<16xf32>,
      %gather3A_343 = tpu.vector_load_idx %arg11[%add3A_338] : memref<16384xf32, #tpu.memory_space<vmem>>[vector<16xi32>], vector<16xf32>,
      %sub3A_344 = arith.constant 1.000000e+00 : f32
      %sub3A_345 = vector.broadcast %sub3A_344 : f32 to vector<16xf32>
      %sub3A_346 = arith.subf %sub3A_345, %exp3A_340 : vector<16xf32>
      %mul3A_347 = arith.mulf %sub3A_346, %mul3A_328 : vector<16xf32>
      %mul3A_348 = arith.mulf %mul3A_328, %exp3A_340 : vector<16xf32>
      %mul3A_349 = arith.mulf %mul3A_347, %gather3A_341 : vector<16xf32>
      %add3A_350 = arith.addf %add3A_330, %mul3A_349 : vector<16xf32>
      %mul3A_351 = arith.mulf %mul3A_347, %gather3A_342 : vector<16xf32>
      %add3A_352 = arith.addf %add3A_332, %mul3A_351 : vector<16xf32>
      %mul3A_353 = arith.mulf %mul3A_347, %gather3A_343 : vector<16xf32>
      %add3A_354 = arith.addf %add3A_334, %mul3A_353 : vector<16xf32>
      %add3A_355 = arith.addf %add3A_335, %mul3A_347 : vector<16xf32>
      %add3A_356 = arith.constant 16 : i32
      %add3A_357 = vector.broadcast %add3A_356 : i32 to vector<16xi32>
      %add3A_358 = arith.addi %add3A_35, %add3A_357 : vector<16xi32>
      %gather3A_359 = tpu.vector_load_idx %arg8[%add3A_358] : memref<16384xf32, #tpu.memory_space<vmem>>[vector<16xi32>], vector<16xf32>,
      %exp3A_360 = math.exp %gather3A_359 : vector<16xf32>
      %gather3A_361 = tpu.vector_load_idx %arg9[%add3A_358] : memref<16384xf32, #tpu.memory_space<vmem>>[vector<16xi32>], vector<16xf32>,
      %gather3A_362 = tpu.vector_load_idx %arg10[%add3A_358] : memref<16384xf32, #tpu.memory_space<vmem>>[vector<16xi32>], vector<16xf32>,
      %gather3A_363 = tpu.vector_load_idx %arg11[%add3A_358] : memref<16384xf32, #tpu.memory_space<vmem>>[vector<16xi32>], vector<16xf32>,
      %sub3A_364 = arith.constant 1.000000e+00 : f32
      %sub3A_365 = vector.broadcast %sub3A_364 : f32 to vector<16xf32>
      %sub3A_366 = arith.subf %sub3A_365, %exp3A_360 : vector<16xf32>
      %mul3A_367 = arith.mulf %sub3A_366, %mul3A_348 : vector<16xf32>
      %mul3A_368 = arith.mulf %mul3A_348, %exp3A_360 : vector<16xf32>
      %mul3A_369 = arith.mulf %mul3A_367, %gather3A_361 : vector<16xf32>
      %add3A_370 = arith.addf %add3A_350, %mul3A_369 : vector<16xf32>
      %mul3A_371 = arith.mulf %mul3A_367, %gather3A_362 : vector<16xf32>
      %add3A_372 = arith.addf %add3A_352, %mul3A_371 : vector<16xf32>
      %mul3A_373 = arith.mulf %mul3A_367, %gather3A_363 : vector<16xf32>
      %add3A_374 = arith.addf %add3A_354, %mul3A_373 : vector<16xf32>
      %add3A_375 = arith.addf %add3A_355, %mul3A_367 : vector<16xf32>
      %add3A_376 = arith.constant 17 : i32
      %add3A_377 = vector.broadcast %add3A_376 : i32 to vector<16xi32>
      %add3A_378 = arith.addi %add3A_35, %add3A_377 : vector<16xi32>
      %gather3A_379 = tpu.vector_load_idx %arg8[%add3A_378] : memref<16384xf32, #tpu.memory_space<vmem>>[vector<16xi32>], vector<16xf32>,
      %exp3A_380 = math.exp %gather3A_379 : vector<16xf32>
      %gather3A_381 = tpu.vector_load_idx %arg9[%add3A_378] : memref<16384xf32, #tpu.memory_space<vmem>>[vector<16xi32>], vector<16xf32>,
      %gather3A_382 = tpu.vector_load_idx %arg10[%add3A_378] : memref<16384xf32, #tpu.memory_space<vmem>>[vector<16xi32>], vector<16xf32>,
      %gather3A_383 = tpu.vector_load_idx %arg11[%add3A_378] : memref<16384xf32, #tpu.memory_space<vmem>>[vector<16xi32>], vector<16xf32>,
      %sub3A_384 = arith.constant 1.000000e+00 : f32
      %sub3A_385 = vector.broadcast %sub3A_384 : f32 to vector<16xf32>
      %sub3A_386 = arith.subf %sub3A_385, %exp3A_380 : vector<16xf32>
      %mul3A_387 = arith.mulf %sub3A_386, %mul3A_368 : vector<16xf32>
      %mul3A_388 = arith.mulf %mul3A_368, %exp3A_380 : vector<16xf32>
      %mul3A_389 = arith.mulf %mul3A_387, %gather3A_381 : vector<16xf32>
      %add3A_390 = arith.addf %add3A_370, %mul3A_389 : vector<16xf32>
      %mul3A_391 = arith.mulf %mul3A_387, %gather3A_382 : vector<16xf32>
      %add3A_392 = arith.addf %add3A_372, %mul3A_391 : vector<16xf32>
      %mul3A_393 = arith.mulf %mul3A_387, %gather3A_383 : vector<16xf32>
      %add3A_394 = arith.addf %add3A_374, %mul3A_393 : vector<16xf32>
      %add3A_395 = arith.addf %add3A_375, %mul3A_387 : vector<16xf32>
      %add3A_396 = arith.constant 18 : i32
      %add3A_397 = vector.broadcast %add3A_396 : i32 to vector<16xi32>
      %add3A_398 = arith.addi %add3A_35, %add3A_397 : vector<16xi32>
      %gather3A_399 = tpu.vector_load_idx %arg8[%add3A_398] : memref<16384xf32, #tpu.memory_space<vmem>>[vector<16xi32>], vector<16xf32>,
      %exp3A_400 = math.exp %gather3A_399 : vector<16xf32>
      %gather3A_401 = tpu.vector_load_idx %arg9[%add3A_398] : memref<16384xf32, #tpu.memory_space<vmem>>[vector<16xi32>], vector<16xf32>,
      %gather3A_402 = tpu.vector_load_idx %arg10[%add3A_398] : memref<16384xf32, #tpu.memory_space<vmem>>[vector<16xi32>], vector<16xf32>,
      %gather3A_403 = tpu.vector_load_idx %arg11[%add3A_398] : memref<16384xf32, #tpu.memory_space<vmem>>[vector<16xi32>], vector<16xf32>,
      %sub3A_404 = arith.constant 1.000000e+00 : f32
      %sub3A_405 = vector.broadcast %sub3A_404 : f32 to vector<16xf32>
      %sub3A_406 = arith.subf %sub3A_405, %exp3A_400 : vector<16xf32>
      %mul3A_407 = arith.mulf %sub3A_406, %mul3A_388 : vector<16xf32>
      %mul3A_408 = arith.mulf %mul3A_388, %exp3A_400 : vector<16xf32>
      %mul3A_409 = arith.mulf %mul3A_407, %gather3A_401 : vector<16xf32>
      %add3A_410 = arith.addf %add3A_390, %mul3A_409 : vector<16xf32>
      %mul3A_411 = arith.mulf %mul3A_407, %gather3A_402 : vector<16xf32>
      %add3A_412 = arith.addf %add3A_392, %mul3A_411 : vector<16xf32>
      %mul3A_413 = arith.mulf %mul3A_407, %gather3A_403 : vector<16xf32>
      %add3A_414 = arith.addf %add3A_394, %mul3A_413 : vector<16xf32>
      %add3A_415 = arith.addf %add3A_395, %mul3A_407 : vector<16xf32>
      %add3A_416 = arith.constant 19 : i32
      %add3A_417 = vector.broadcast %add3A_416 : i32 to vector<16xi32>
      %add3A_418 = arith.addi %add3A_35, %add3A_417 : vector<16xi32>
      %gather3A_419 = tpu.vector_load_idx %arg8[%add3A_418] : memref<16384xf32, #tpu.memory_space<vmem>>[vector<16xi32>], vector<16xf32>,
      %exp3A_420 = math.exp %gather3A_419 : vector<16xf32>
      %gather3A_421 = tpu.vector_load_idx %arg9[%add3A_418] : memref<16384xf32, #tpu.memory_space<vmem>>[vector<16xi32>], vector<16xf32>,
      %gather3A_422 = tpu.vector_load_idx %arg10[%add3A_418] : memref<16384xf32, #tpu.memory_space<vmem>>[vector<16xi32>], vector<16xf32>,
      %gather3A_423 = tpu.vector_load_idx %arg11[%add3A_418] : memref<16384xf32, #tpu.memory_space<vmem>>[vector<16xi32>], vector<16xf32>,
      %sub3A_424 = arith.constant 1.000000e+00 : f32
      %sub3A_425 = vector.broadcast %sub3A_424 : f32 to vector<16xf32>
      %sub3A_426 = arith.subf %sub3A_425, %exp3A_420 : vector<16xf32>
      %mul3A_427 = arith.mulf %sub3A_426, %mul3A_408 : vector<16xf32>
      %mul3A_428 = arith.mulf %mul3A_408, %exp3A_420 : vector<16xf32>
      %mul3A_429 = arith.mulf %mul3A_427, %gather3A_421 : vector<16xf32>
      %add3A_430 = arith.addf %add3A_410, %mul3A_429 : vector<16xf32>
      %mul3A_431 = arith.mulf %mul3A_427, %gather3A_422 : vector<16xf32>
      %add3A_432 = arith.addf %add3A_412, %mul3A_431 : vector<16xf32>
      %mul3A_433 = arith.mulf %mul3A_427, %gather3A_423 : vector<16xf32>
      %add3A_434 = arith.addf %add3A_414, %mul3A_433 : vector<16xf32>
      %add3A_435 = arith.addf %add3A_415, %mul3A_427 : vector<16xf32>
      %add3A_436 = arith.constant 20 : i32
      %add3A_437 = vector.broadcast %add3A_436 : i32 to vector<16xi32>
      %add3A_438 = arith.addi %add3A_35, %add3A_437 : vector<16xi32>
      %gather3A_439 = tpu.vector_load_idx %arg8[%add3A_438] : memref<16384xf32, #tpu.memory_space<vmem>>[vector<16xi32>], vector<16xf32>,
      %exp3A_440 = math.exp %gather3A_439 : vector<16xf32>
      %gather3A_441 = tpu.vector_load_idx %arg9[%add3A_438] : memref<16384xf32, #tpu.memory_space<vmem>>[vector<16xi32>], vector<16xf32>,
      %gather3A_442 = tpu.vector_load_idx %arg10[%add3A_438] : memref<16384xf32, #tpu.memory_space<vmem>>[vector<16xi32>], vector<16xf32>,
      %gather3A_443 = tpu.vector_load_idx %arg11[%add3A_438] : memref<16384xf32, #tpu.memory_space<vmem>>[vector<16xi32>], vector<16xf32>,
      %sub3A_444 = arith.constant 1.000000e+00 : f32
      %sub3A_445 = vector.broadcast %sub3A_444 : f32 to vector<16xf32>
      %sub3A_446 = arith.subf %sub3A_445, %exp3A_440 : vector<16xf32>
      %mul3A_447 = arith.mulf %sub3A_446, %mul3A_428 : vector<16xf32>
      %mul3A_448 = arith.mulf %mul3A_428, %exp3A_440 : vector<16xf32>
      %mul3A_449 = arith.mulf %mul3A_447, %gather3A_441 : vector<16xf32>
      %add3A_450 = arith.addf %add3A_430, %mul3A_449 : vector<16xf32>
      %mul3A_451 = arith.mulf %mul3A_447, %gather3A_442 : vector<16xf32>
      %add3A_452 = arith.addf %add3A_432, %mul3A_451 : vector<16xf32>
      %mul3A_453 = arith.mulf %mul3A_447, %gather3A_443 : vector<16xf32>
      %add3A_454 = arith.addf %add3A_434, %mul3A_453 : vector<16xf32>
      %add3A_455 = arith.addf %add3A_435, %mul3A_447 : vector<16xf32>
      %add3A_456 = arith.constant 21 : i32
      %add3A_457 = vector.broadcast %add3A_456 : i32 to vector<16xi32>
      %add3A_458 = arith.addi %add3A_35, %add3A_457 : vector<16xi32>
      %gather3A_459 = tpu.vector_load_idx %arg8[%add3A_458] : memref<16384xf32, #tpu.memory_space<vmem>>[vector<16xi32>], vector<16xf32>,
      %exp3A_460 = math.exp %gather3A_459 : vector<16xf32>
      %gather3A_461 = tpu.vector_load_idx %arg9[%add3A_458] : memref<16384xf32, #tpu.memory_space<vmem>>[vector<16xi32>], vector<16xf32>,
      %gather3A_462 = tpu.vector_load_idx %arg10[%add3A_458] : memref<16384xf32, #tpu.memory_space<vmem>>[vector<16xi32>], vector<16xf32>,
      %gather3A_463 = tpu.vector_load_idx %arg11[%add3A_458] : memref<16384xf32, #tpu.memory_space<vmem>>[vector<16xi32>], vector<16xf32>,
      %sub3A_464 = arith.constant 1.000000e+00 : f32
      %sub3A_465 = vector.broadcast %sub3A_464 : f32 to vector<16xf32>
      %sub3A_466 = arith.subf %sub3A_465, %exp3A_460 : vector<16xf32>
      %mul3A_467 = arith.mulf %sub3A_466, %mul3A_448 : vector<16xf32>
      %mul3A_468 = arith.mulf %mul3A_448, %exp3A_460 : vector<16xf32>
      %mul3A_469 = arith.mulf %mul3A_467, %gather3A_461 : vector<16xf32>
      %add3A_470 = arith.addf %add3A_450, %mul3A_469 : vector<16xf32>
      %mul3A_471 = arith.mulf %mul3A_467, %gather3A_462 : vector<16xf32>
      %add3A_472 = arith.addf %add3A_452, %mul3A_471 : vector<16xf32>
      %mul3A_473 = arith.mulf %mul3A_467, %gather3A_463 : vector<16xf32>
      %add3A_474 = arith.addf %add3A_454, %mul3A_473 : vector<16xf32>
      %add3A_475 = arith.addf %add3A_455, %mul3A_467 : vector<16xf32>
      %add3A_476 = arith.constant 22 : i32
      %add3A_477 = vector.broadcast %add3A_476 : i32 to vector<16xi32>
      %add3A_478 = arith.addi %add3A_35, %add3A_477 : vector<16xi32>
      %gather3A_479 = tpu.vector_load_idx %arg8[%add3A_478] : memref<16384xf32, #tpu.memory_space<vmem>>[vector<16xi32>], vector<16xf32>,
      %exp3A_480 = math.exp %gather3A_479 : vector<16xf32>
      %gather3A_481 = tpu.vector_load_idx %arg9[%add3A_478] : memref<16384xf32, #tpu.memory_space<vmem>>[vector<16xi32>], vector<16xf32>,
      %gather3A_482 = tpu.vector_load_idx %arg10[%add3A_478] : memref<16384xf32, #tpu.memory_space<vmem>>[vector<16xi32>], vector<16xf32>,
      %gather3A_483 = tpu.vector_load_idx %arg11[%add3A_478] : memref<16384xf32, #tpu.memory_space<vmem>>[vector<16xi32>], vector<16xf32>,
      %sub3A_484 = arith.constant 1.000000e+00 : f32
      %sub3A_485 = vector.broadcast %sub3A_484 : f32 to vector<16xf32>
      %sub3A_486 = arith.subf %sub3A_485, %exp3A_480 : vector<16xf32>
      %mul3A_487 = arith.mulf %sub3A_486, %mul3A_468 : vector<16xf32>
      %mul3A_488 = arith.mulf %mul3A_468, %exp3A_480 : vector<16xf32>
      %mul3A_489 = arith.mulf %mul3A_487, %gather3A_481 : vector<16xf32>
      %add3A_490 = arith.addf %add3A_470, %mul3A_489 : vector<16xf32>
      %mul3A_491 = arith.mulf %mul3A_487, %gather3A_482 : vector<16xf32>
      %add3A_492 = arith.addf %add3A_472, %mul3A_491 : vector<16xf32>
      %mul3A_493 = arith.mulf %mul3A_487, %gather3A_483 : vector<16xf32>
      %add3A_494 = arith.addf %add3A_474, %mul3A_493 : vector<16xf32>
      %add3A_495 = arith.addf %add3A_475, %mul3A_487 : vector<16xf32>
      %add3A_496 = arith.constant 23 : i32
      %add3A_497 = vector.broadcast %add3A_496 : i32 to vector<16xi32>
      %add3A_498 = arith.addi %add3A_35, %add3A_497 : vector<16xi32>
      %gather3A_499 = tpu.vector_load_idx %arg8[%add3A_498] : memref<16384xf32, #tpu.memory_space<vmem>>[vector<16xi32>], vector<16xf32>,
      %exp3A_500 = math.exp %gather3A_499 : vector<16xf32>
      %gather3A_501 = tpu.vector_load_idx %arg9[%add3A_498] : memref<16384xf32, #tpu.memory_space<vmem>>[vector<16xi32>], vector<16xf32>,
      %gather3A_502 = tpu.vector_load_idx %arg10[%add3A_498] : memref<16384xf32, #tpu.memory_space<vmem>>[vector<16xi32>], vector<16xf32>,
      %gather3A_503 = tpu.vector_load_idx %arg11[%add3A_498] : memref<16384xf32, #tpu.memory_space<vmem>>[vector<16xi32>], vector<16xf32>,
      %sub3A_504 = arith.constant 1.000000e+00 : f32
      %sub3A_505 = vector.broadcast %sub3A_504 : f32 to vector<16xf32>
      %sub3A_506 = arith.subf %sub3A_505, %exp3A_500 : vector<16xf32>
      %mul3A_507 = arith.mulf %sub3A_506, %mul3A_488 : vector<16xf32>
      %mul3A_508 = arith.mulf %mul3A_488, %exp3A_500 : vector<16xf32>
      %mul3A_509 = arith.mulf %mul3A_507, %gather3A_501 : vector<16xf32>
      %add3A_510 = arith.addf %add3A_490, %mul3A_509 : vector<16xf32>
      %mul3A_511 = arith.mulf %mul3A_507, %gather3A_502 : vector<16xf32>
      %add3A_512 = arith.addf %add3A_492, %mul3A_511 : vector<16xf32>
      %mul3A_513 = arith.mulf %mul3A_507, %gather3A_503 : vector<16xf32>
      %add3A_514 = arith.addf %add3A_494, %mul3A_513 : vector<16xf32>
      %add3A_515 = arith.addf %add3A_495, %mul3A_507 : vector<16xf32>
      %add3A_516 = arith.constant 24 : i32
      %add3A_517 = vector.broadcast %add3A_516 : i32 to vector<16xi32>
      %add3A_518 = arith.addi %add3A_35, %add3A_517 : vector<16xi32>
      %gather3A_519 = tpu.vector_load_idx %arg8[%add3A_518] : memref<16384xf32, #tpu.memory_space<vmem>>[vector<16xi32>], vector<16xf32>,
      %exp3A_520 = math.exp %gather3A_519 : vector<16xf32>
      %gather3A_521 = tpu.vector_load_idx %arg9[%add3A_518] : memref<16384xf32, #tpu.memory_space<vmem>>[vector<16xi32>], vector<16xf32>,
      %gather3A_522 = tpu.vector_load_idx %arg10[%add3A_518] : memref<16384xf32, #tpu.memory_space<vmem>>[vector<16xi32>], vector<16xf32>,
      %gather3A_523 = tpu.vector_load_idx %arg11[%add3A_518] : memref<16384xf32, #tpu.memory_space<vmem>>[vector<16xi32>], vector<16xf32>,
      %sub3A_524 = arith.constant 1.000000e+00 : f32
      %sub3A_525 = vector.broadcast %sub3A_524 : f32 to vector<16xf32>
      %sub3A_526 = arith.subf %sub3A_525, %exp3A_520 : vector<16xf32>
      %mul3A_527 = arith.mulf %sub3A_526, %mul3A_508 : vector<16xf32>
      %mul3A_528 = arith.mulf %mul3A_508, %exp3A_520 : vector<16xf32>
      %mul3A_529 = arith.mulf %mul3A_527, %gather3A_521 : vector<16xf32>
      %add3A_530 = arith.addf %add3A_510, %mul3A_529 : vector<16xf32>
      %mul3A_531 = arith.mulf %mul3A_527, %gather3A_522 : vector<16xf32>
      %add3A_532 = arith.addf %add3A_512, %mul3A_531 : vector<16xf32>
      %mul3A_533 = arith.mulf %mul3A_527, %gather3A_523 : vector<16xf32>
      %add3A_534 = arith.addf %add3A_514, %mul3A_533 : vector<16xf32>
      %add3A_535 = arith.addf %add3A_515, %mul3A_527 : vector<16xf32>
      %add3A_536 = arith.constant 25 : i32
      %add3A_537 = vector.broadcast %add3A_536 : i32 to vector<16xi32>
      %add3A_538 = arith.addi %add3A_35, %add3A_537 : vector<16xi32>
      %gather3A_539 = tpu.vector_load_idx %arg8[%add3A_538] : memref<16384xf32, #tpu.memory_space<vmem>>[vector<16xi32>], vector<16xf32>,
      %exp3A_540 = math.exp %gather3A_539 : vector<16xf32>
      %gather3A_541 = tpu.vector_load_idx %arg9[%add3A_538] : memref<16384xf32, #tpu.memory_space<vmem>>[vector<16xi32>], vector<16xf32>,
      %gather3A_542 = tpu.vector_load_idx %arg10[%add3A_538] : memref<16384xf32, #tpu.memory_space<vmem>>[vector<16xi32>], vector<16xf32>,
      %gather3A_543 = tpu.vector_load_idx %arg11[%add3A_538] : memref<16384xf32, #tpu.memory_space<vmem>>[vector<16xi32>], vector<16xf32>,
      %sub3A_544 = arith.constant 1.000000e+00 : f32
      %sub3A_545 = vector.broadcast %sub3A_544 : f32 to vector<16xf32>
      %sub3A_546 = arith.subf %sub3A_545, %exp3A_540 : vector<16xf32>
      %mul3A_547 = arith.mulf %sub3A_546, %mul3A_528 : vector<16xf32>
      %mul3A_548 = arith.mulf %mul3A_528, %exp3A_540 : vector<16xf32>
      %mul3A_549 = arith.mulf %mul3A_547, %gather3A_541 : vector<16xf32>
      %add3A_550 = arith.addf %add3A_530, %mul3A_549 : vector<16xf32>
      %mul3A_551 = arith.mulf %mul3A_547, %gather3A_542 : vector<16xf32>
      %add3A_552 = arith.addf %add3A_532, %mul3A_551 : vector<16xf32>
      %mul3A_553 = arith.mulf %mul3A_547, %gather3A_543 : vector<16xf32>
      %add3A_554 = arith.addf %add3A_534, %mul3A_553 : vector<16xf32>
      %add3A_555 = arith.addf %add3A_535, %mul3A_547 : vector<16xf32>
      %add3A_556 = arith.constant 26 : i32
      %add3A_557 = vector.broadcast %add3A_556 : i32 to vector<16xi32>
      %add3A_558 = arith.addi %add3A_35, %add3A_557 : vector<16xi32>
      %gather3A_559 = tpu.vector_load_idx %arg8[%add3A_558] : memref<16384xf32, #tpu.memory_space<vmem>>[vector<16xi32>], vector<16xf32>,
      %exp3A_560 = math.exp %gather3A_559 : vector<16xf32>
      %gather3A_561 = tpu.vector_load_idx %arg9[%add3A_558] : memref<16384xf32, #tpu.memory_space<vmem>>[vector<16xi32>], vector<16xf32>,
      %gather3A_562 = tpu.vector_load_idx %arg10[%add3A_558] : memref<16384xf32, #tpu.memory_space<vmem>>[vector<16xi32>], vector<16xf32>,
      %gather3A_563 = tpu.vector_load_idx %arg11[%add3A_558] : memref<16384xf32, #tpu.memory_space<vmem>>[vector<16xi32>], vector<16xf32>,
      %sub3A_564 = arith.constant 1.000000e+00 : f32
      %sub3A_565 = vector.broadcast %sub3A_564 : f32 to vector<16xf32>
      %sub3A_566 = arith.subf %sub3A_565, %exp3A_560 : vector<16xf32>
      %mul3A_567 = arith.mulf %sub3A_566, %mul3A_548 : vector<16xf32>
      %mul3A_568 = arith.mulf %mul3A_548, %exp3A_560 : vector<16xf32>
      %mul3A_569 = arith.mulf %mul3A_567, %gather3A_561 : vector<16xf32>
      %add3A_570 = arith.addf %add3A_550, %mul3A_569 : vector<16xf32>
      %mul3A_571 = arith.mulf %mul3A_567, %gather3A_562 : vector<16xf32>
      %add3A_572 = arith.addf %add3A_552, %mul3A_571 : vector<16xf32>
      %mul3A_573 = arith.mulf %mul3A_567, %gather3A_563 : vector<16xf32>
      %add3A_574 = arith.addf %add3A_554, %mul3A_573 : vector<16xf32>
      %add3A_575 = arith.addf %add3A_555, %mul3A_567 : vector<16xf32>
      %add3A_576 = arith.constant 27 : i32
      %add3A_577 = vector.broadcast %add3A_576 : i32 to vector<16xi32>
      %add3A_578 = arith.addi %add3A_35, %add3A_577 : vector<16xi32>
      %gather3A_579 = tpu.vector_load_idx %arg8[%add3A_578] : memref<16384xf32, #tpu.memory_space<vmem>>[vector<16xi32>], vector<16xf32>,
      %exp3A_580 = math.exp %gather3A_579 : vector<16xf32>
      %gather3A_581 = tpu.vector_load_idx %arg9[%add3A_578] : memref<16384xf32, #tpu.memory_space<vmem>>[vector<16xi32>], vector<16xf32>,
      %gather3A_582 = tpu.vector_load_idx %arg10[%add3A_578] : memref<16384xf32, #tpu.memory_space<vmem>>[vector<16xi32>], vector<16xf32>,
      %gather3A_583 = tpu.vector_load_idx %arg11[%add3A_578] : memref<16384xf32, #tpu.memory_space<vmem>>[vector<16xi32>], vector<16xf32>,
      %sub3A_584 = arith.constant 1.000000e+00 : f32
      %sub3A_585 = vector.broadcast %sub3A_584 : f32 to vector<16xf32>
      %sub3A_586 = arith.subf %sub3A_585, %exp3A_580 : vector<16xf32>
      %mul3A_587 = arith.mulf %sub3A_586, %mul3A_568 : vector<16xf32>
      %mul3A_588 = arith.mulf %mul3A_568, %exp3A_580 : vector<16xf32>
      %mul3A_589 = arith.mulf %mul3A_587, %gather3A_581 : vector<16xf32>
      %add3A_590 = arith.addf %add3A_570, %mul3A_589 : vector<16xf32>
      %mul3A_591 = arith.mulf %mul3A_587, %gather3A_582 : vector<16xf32>
      %add3A_592 = arith.addf %add3A_572, %mul3A_591 : vector<16xf32>
      %mul3A_593 = arith.mulf %mul3A_587, %gather3A_583 : vector<16xf32>
      %add3A_594 = arith.addf %add3A_574, %mul3A_593 : vector<16xf32>
      %add3A_595 = arith.addf %add3A_575, %mul3A_587 : vector<16xf32>
      %add3A_596 = arith.constant 28 : i32
      %add3A_597 = vector.broadcast %add3A_596 : i32 to vector<16xi32>
      %add3A_598 = arith.addi %add3A_35, %add3A_597 : vector<16xi32>
      %gather3A_599 = tpu.vector_load_idx %arg8[%add3A_598] : memref<16384xf32, #tpu.memory_space<vmem>>[vector<16xi32>], vector<16xf32>,
      %exp3A_600 = math.exp %gather3A_599 : vector<16xf32>
      %gather3A_601 = tpu.vector_load_idx %arg9[%add3A_598] : memref<16384xf32, #tpu.memory_space<vmem>>[vector<16xi32>], vector<16xf32>,
      %gather3A_602 = tpu.vector_load_idx %arg10[%add3A_598] : memref<16384xf32, #tpu.memory_space<vmem>>[vector<16xi32>], vector<16xf32>,
      %gather3A_603 = tpu.vector_load_idx %arg11[%add3A_598] : memref<16384xf32, #tpu.memory_space<vmem>>[vector<16xi32>], vector<16xf32>,
      %sub3A_604 = arith.constant 1.000000e+00 : f32
      %sub3A_605 = vector.broadcast %sub3A_604 : f32 to vector<16xf32>
      %sub3A_606 = arith.subf %sub3A_605, %exp3A_600 : vector<16xf32>
      %mul3A_607 = arith.mulf %sub3A_606, %mul3A_588 : vector<16xf32>
      %mul3A_608 = arith.mulf %mul3A_588, %exp3A_600 : vector<16xf32>
      %mul3A_609 = arith.mulf %mul3A_607, %gather3A_601 : vector<16xf32>
      %add3A_610 = arith.addf %add3A_590, %mul3A_609 : vector<16xf32>
      %mul3A_611 = arith.mulf %mul3A_607, %gather3A_602 : vector<16xf32>
      %add3A_612 = arith.addf %add3A_592, %mul3A_611 : vector<16xf32>
      %mul3A_613 = arith.mulf %mul3A_607, %gather3A_603 : vector<16xf32>
      %add3A_614 = arith.addf %add3A_594, %mul3A_613 : vector<16xf32>
      %add3A_615 = arith.addf %add3A_595, %mul3A_607 : vector<16xf32>
      %add3A_616 = arith.constant 29 : i32
      %add3A_617 = vector.broadcast %add3A_616 : i32 to vector<16xi32>
      %add3A_618 = arith.addi %add3A_35, %add3A_617 : vector<16xi32>
      %gather3A_619 = tpu.vector_load_idx %arg8[%add3A_618] : memref<16384xf32, #tpu.memory_space<vmem>>[vector<16xi32>], vector<16xf32>,
      %exp3A_620 = math.exp %gather3A_619 : vector<16xf32>
      %gather3A_621 = tpu.vector_load_idx %arg9[%add3A_618] : memref<16384xf32, #tpu.memory_space<vmem>>[vector<16xi32>], vector<16xf32>,
      %gather3A_622 = tpu.vector_load_idx %arg10[%add3A_618] : memref<16384xf32, #tpu.memory_space<vmem>>[vector<16xi32>], vector<16xf32>,
      %gather3A_623 = tpu.vector_load_idx %arg11[%add3A_618] : memref<16384xf32, #tpu.memory_space<vmem>>[vector<16xi32>], vector<16xf32>,
      %sub3A_624 = arith.constant 1.000000e+00 : f32
      %sub3A_625 = vector.broadcast %sub3A_624 : f32 to vector<16xf32>
      %sub3A_626 = arith.subf %sub3A_625, %exp3A_620 : vector<16xf32>
      %mul3A_627 = arith.mulf %sub3A_626, %mul3A_608 : vector<16xf32>
      %mul3A_628 = arith.mulf %mul3A_608, %exp3A_620 : vector<16xf32>
      %mul3A_629 = arith.mulf %mul3A_627, %gather3A_621 : vector<16xf32>
      %add3A_630 = arith.addf %add3A_610, %mul3A_629 : vector<16xf32>
      %mul3A_631 = arith.mulf %mul3A_627, %gather3A_622 : vector<16xf32>
      %add3A_632 = arith.addf %add3A_612, %mul3A_631 : vector<16xf32>
      %mul3A_633 = arith.mulf %mul3A_627, %gather3A_623 : vector<16xf32>
      %add3A_634 = arith.addf %add3A_614, %mul3A_633 : vector<16xf32>
      %add3A_635 = arith.addf %add3A_615, %mul3A_627 : vector<16xf32>
      %add3A_636 = arith.constant 30 : i32
      %add3A_637 = vector.broadcast %add3A_636 : i32 to vector<16xi32>
      %add3A_638 = arith.addi %add3A_35, %add3A_637 : vector<16xi32>
      %gather3A_639 = tpu.vector_load_idx %arg8[%add3A_638] : memref<16384xf32, #tpu.memory_space<vmem>>[vector<16xi32>], vector<16xf32>,
      %exp3A_640 = math.exp %gather3A_639 : vector<16xf32>
      %gather3A_641 = tpu.vector_load_idx %arg9[%add3A_638] : memref<16384xf32, #tpu.memory_space<vmem>>[vector<16xi32>], vector<16xf32>,
      %gather3A_642 = tpu.vector_load_idx %arg10[%add3A_638] : memref<16384xf32, #tpu.memory_space<vmem>>[vector<16xi32>], vector<16xf32>,
      %gather3A_643 = tpu.vector_load_idx %arg11[%add3A_638] : memref<16384xf32, #tpu.memory_space<vmem>>[vector<16xi32>], vector<16xf32>,
      %sub3A_644 = arith.constant 1.000000e+00 : f32
      %sub3A_645 = vector.broadcast %sub3A_644 : f32 to vector<16xf32>
      %sub3A_646 = arith.subf %sub3A_645, %exp3A_640 : vector<16xf32>
      %mul3A_647 = arith.mulf %sub3A_646, %mul3A_628 : vector<16xf32>
      %mul3A_648 = arith.mulf %mul3A_628, %exp3A_640 : vector<16xf32>
      %mul3A_649 = arith.mulf %mul3A_647, %gather3A_641 : vector<16xf32>
      %add3A_650 = arith.addf %add3A_630, %mul3A_649 : vector<16xf32>
      %mul3A_651 = arith.mulf %mul3A_647, %gather3A_642 : vector<16xf32>
      %add3A_652 = arith.addf %add3A_632, %mul3A_651 : vector<16xf32>
      %mul3A_653 = arith.mulf %mul3A_647, %gather3A_643 : vector<16xf32>
      %add3A_654 = arith.addf %add3A_634, %mul3A_653 : vector<16xf32>
      %add3A_655 = arith.addf %add3A_635, %mul3A_647 : vector<16xf32>
      %add3A_656 = arith.constant 31 : i32
      %add3A_657 = vector.broadcast %add3A_656 : i32 to vector<16xi32>
      %add3A_658 = arith.addi %add3A_35, %add3A_657 : vector<16xi32>
      %gather3A_659 = tpu.vector_load_idx %arg8[%add3A_658] : memref<16384xf32, #tpu.memory_space<vmem>>[vector<16xi32>], vector<16xf32>,
      %exp3A_660 = math.exp %gather3A_659 : vector<16xf32>
      %gather3A_661 = tpu.vector_load_idx %arg9[%add3A_658] : memref<16384xf32, #tpu.memory_space<vmem>>[vector<16xi32>], vector<16xf32>,
      %gather3A_662 = tpu.vector_load_idx %arg10[%add3A_658] : memref<16384xf32, #tpu.memory_space<vmem>>[vector<16xi32>], vector<16xf32>,
      %gather3A_663 = tpu.vector_load_idx %arg11[%add3A_658] : memref<16384xf32, #tpu.memory_space<vmem>>[vector<16xi32>], vector<16xf32>,
      %sub3A_664 = arith.constant 1.000000e+00 : f32
      %sub3A_665 = vector.broadcast %sub3A_664 : f32 to vector<16xf32>
      %sub3A_666 = arith.subf %sub3A_665, %exp3A_660 : vector<16xf32>
      %mul3A_667 = arith.mulf %sub3A_666, %mul3A_648 : vector<16xf32>
      %mul3A_668 = arith.mulf %mul3A_648, %exp3A_660 : vector<16xf32>
      %mul3A_669 = arith.mulf %mul3A_667, %gather3A_661 : vector<16xf32>
      %add3A_670 = arith.addf %add3A_650, %mul3A_669 : vector<16xf32>
      %mul3A_671 = arith.mulf %mul3A_667, %gather3A_662 : vector<16xf32>
      %add3A_672 = arith.addf %add3A_652, %mul3A_671 : vector<16xf32>
      %mul3A_673 = arith.mulf %mul3A_667, %gather3A_663 : vector<16xf32>
      %add3A_674 = arith.addf %add3A_654, %mul3A_673 : vector<16xf32>
      %add3A_675 = arith.addf %add3A_655, %mul3A_667 : vector<16xf32>
      %add3A_676 = arith.constant 32 : i32
      %add3A_677 = vector.broadcast %add3A_676 : i32 to vector<16xi32>
      %add3A_678 = arith.addi %add3A_35, %add3A_677 : vector<16xi32>
      %gather3A_679 = tpu.vector_load_idx %arg8[%add3A_678] : memref<16384xf32, #tpu.memory_space<vmem>>[vector<16xi32>], vector<16xf32>,
      %exp3A_680 = math.exp %gather3A_679 : vector<16xf32>
      %gather3A_681 = tpu.vector_load_idx %arg9[%add3A_678] : memref<16384xf32, #tpu.memory_space<vmem>>[vector<16xi32>], vector<16xf32>,
      %gather3A_682 = tpu.vector_load_idx %arg10[%add3A_678] : memref<16384xf32, #tpu.memory_space<vmem>>[vector<16xi32>], vector<16xf32>,
      %gather3A_683 = tpu.vector_load_idx %arg11[%add3A_678] : memref<16384xf32, #tpu.memory_space<vmem>>[vector<16xi32>], vector<16xf32>,
      %sub3A_684 = arith.constant 1.000000e+00 : f32
      %sub3A_685 = vector.broadcast %sub3A_684 : f32 to vector<16xf32>
      %sub3A_686 = arith.subf %sub3A_685, %exp3A_680 : vector<16xf32>
      %mul3A_687 = arith.mulf %sub3A_686, %mul3A_668 : vector<16xf32>
      %mul3A_688 = arith.mulf %mul3A_668, %exp3A_680 : vector<16xf32>
      %mul3A_689 = arith.mulf %mul3A_687, %gather3A_681 : vector<16xf32>
      %add3A_690 = arith.addf %add3A_670, %mul3A_689 : vector<16xf32>
      %mul3A_691 = arith.mulf %mul3A_687, %gather3A_682 : vector<16xf32>
      %add3A_692 = arith.addf %add3A_672, %mul3A_691 : vector<16xf32>
      %mul3A_693 = arith.mulf %mul3A_687, %gather3A_683 : vector<16xf32>
      %add3A_694 = arith.addf %add3A_674, %mul3A_693 : vector<16xf32>
      %add3A_695 = arith.addf %add3A_675, %mul3A_687 : vector<16xf32>
      %add3A_696 = arith.constant 33 : i32
      %add3A_697 = vector.broadcast %add3A_696 : i32 to vector<16xi32>
      %add3A_698 = arith.addi %add3A_35, %add3A_697 : vector<16xi32>
      %gather3A_699 = tpu.vector_load_idx %arg8[%add3A_698] : memref<16384xf32, #tpu.memory_space<vmem>>[vector<16xi32>], vector<16xf32>,
      %exp3A_700 = math.exp %gather3A_699 : vector<16xf32>
      %gather3A_701 = tpu.vector_load_idx %arg9[%add3A_698] : memref<16384xf32, #tpu.memory_space<vmem>>[vector<16xi32>], vector<16xf32>,
      %gather3A_702 = tpu.vector_load_idx %arg10[%add3A_698] : memref<16384xf32, #tpu.memory_space<vmem>>[vector<16xi32>], vector<16xf32>,
      %gather3A_703 = tpu.vector_load_idx %arg11[%add3A_698] : memref<16384xf32, #tpu.memory_space<vmem>>[vector<16xi32>], vector<16xf32>,
      %sub3A_704 = arith.constant 1.000000e+00 : f32
      %sub3A_705 = vector.broadcast %sub3A_704 : f32 to vector<16xf32>
      %sub3A_706 = arith.subf %sub3A_705, %exp3A_700 : vector<16xf32>
      %mul3A_707 = arith.mulf %sub3A_706, %mul3A_688 : vector<16xf32>
      %mul3A_708 = arith.mulf %mul3A_688, %exp3A_700 : vector<16xf32>
      %mul3A_709 = arith.mulf %mul3A_707, %gather3A_701 : vector<16xf32>
      %add3A_710 = arith.addf %add3A_690, %mul3A_709 : vector<16xf32>
      %mul3A_711 = arith.mulf %mul3A_707, %gather3A_702 : vector<16xf32>
      %add3A_712 = arith.addf %add3A_692, %mul3A_711 : vector<16xf32>
      %mul3A_713 = arith.mulf %mul3A_707, %gather3A_703 : vector<16xf32>
      %add3A_714 = arith.addf %add3A_694, %mul3A_713 : vector<16xf32>
      %add3A_715 = arith.addf %add3A_695, %mul3A_707 : vector<16xf32>
      %add3A_716 = arith.constant 34 : i32
      %add3A_717 = vector.broadcast %add3A_716 : i32 to vector<16xi32>
      %add3A_718 = arith.addi %add3A_35, %add3A_717 : vector<16xi32>
      %gather3A_719 = tpu.vector_load_idx %arg8[%add3A_718] : memref<16384xf32, #tpu.memory_space<vmem>>[vector<16xi32>], vector<16xf32>,
      %exp3A_720 = math.exp %gather3A_719 : vector<16xf32>
      %gather3A_721 = tpu.vector_load_idx %arg9[%add3A_718] : memref<16384xf32, #tpu.memory_space<vmem>>[vector<16xi32>], vector<16xf32>,
      %gather3A_722 = tpu.vector_load_idx %arg10[%add3A_718] : memref<16384xf32, #tpu.memory_space<vmem>>[vector<16xi32>], vector<16xf32>,
      %gather3A_723 = tpu.vector_load_idx %arg11[%add3A_718] : memref<16384xf32, #tpu.memory_space<vmem>>[vector<16xi32>], vector<16xf32>,
      %sub3A_724 = arith.constant 1.000000e+00 : f32
      %sub3A_725 = vector.broadcast %sub3A_724 : f32 to vector<16xf32>
      %sub3A_726 = arith.subf %sub3A_725, %exp3A_720 : vector<16xf32>
      %mul3A_727 = arith.mulf %sub3A_726, %mul3A_708 : vector<16xf32>
      %mul3A_728 = arith.mulf %mul3A_708, %exp3A_720 : vector<16xf32>
      %mul3A_729 = arith.mulf %mul3A_727, %gather3A_721 : vector<16xf32>
      %add3A_730 = arith.addf %add3A_710, %mul3A_729 : vector<16xf32>
      %mul3A_731 = arith.mulf %mul3A_727, %gather3A_722 : vector<16xf32>
      %add3A_732 = arith.addf %add3A_712, %mul3A_731 : vector<16xf32>
      %mul3A_733 = arith.mulf %mul3A_727, %gather3A_723 : vector<16xf32>
      %add3A_734 = arith.addf %add3A_714, %mul3A_733 : vector<16xf32>
      %add3A_735 = arith.addf %add3A_715, %mul3A_727 : vector<16xf32>
      %add3A_736 = arith.constant 35 : i32
      %add3A_737 = vector.broadcast %add3A_736 : i32 to vector<16xi32>
      %add3A_738 = arith.addi %add3A_35, %add3A_737 : vector<16xi32>
      %gather3A_739 = tpu.vector_load_idx %arg8[%add3A_738] : memref<16384xf32, #tpu.memory_space<vmem>>[vector<16xi32>], vector<16xf32>,
      %exp3A_740 = math.exp %gather3A_739 : vector<16xf32>
      %gather3A_741 = tpu.vector_load_idx %arg9[%add3A_738] : memref<16384xf32, #tpu.memory_space<vmem>>[vector<16xi32>], vector<16xf32>,
      %gather3A_742 = tpu.vector_load_idx %arg10[%add3A_738] : memref<16384xf32, #tpu.memory_space<vmem>>[vector<16xi32>], vector<16xf32>,
      %gather3A_743 = tpu.vector_load_idx %arg11[%add3A_738] : memref<16384xf32, #tpu.memory_space<vmem>>[vector<16xi32>], vector<16xf32>,
      %sub3A_744 = arith.constant 1.000000e+00 : f32
      %sub3A_745 = vector.broadcast %sub3A_744 : f32 to vector<16xf32>
      %sub3A_746 = arith.subf %sub3A_745, %exp3A_740 : vector<16xf32>
      %mul3A_747 = arith.mulf %sub3A_746, %mul3A_728 : vector<16xf32>
      %mul3A_748 = arith.mulf %mul3A_728, %exp3A_740 : vector<16xf32>
      %mul3A_749 = arith.mulf %mul3A_747, %gather3A_741 : vector<16xf32>
      %add3A_750 = arith.addf %add3A_730, %mul3A_749 : vector<16xf32>
      %mul3A_751 = arith.mulf %mul3A_747, %gather3A_742 : vector<16xf32>
      %add3A_752 = arith.addf %add3A_732, %mul3A_751 : vector<16xf32>
      %mul3A_753 = arith.mulf %mul3A_747, %gather3A_743 : vector<16xf32>
      %add3A_754 = arith.addf %add3A_734, %mul3A_753 : vector<16xf32>
      %add3A_755 = arith.addf %add3A_735, %mul3A_747 : vector<16xf32>
      %add3A_756 = arith.constant 36 : i32
      %add3A_757 = vector.broadcast %add3A_756 : i32 to vector<16xi32>
      %add3A_758 = arith.addi %add3A_35, %add3A_757 : vector<16xi32>
      %gather3A_759 = tpu.vector_load_idx %arg8[%add3A_758] : memref<16384xf32, #tpu.memory_space<vmem>>[vector<16xi32>], vector<16xf32>,
      %exp3A_760 = math.exp %gather3A_759 : vector<16xf32>
      %gather3A_761 = tpu.vector_load_idx %arg9[%add3A_758] : memref<16384xf32, #tpu.memory_space<vmem>>[vector<16xi32>], vector<16xf32>,
      %gather3A_762 = tpu.vector_load_idx %arg10[%add3A_758] : memref<16384xf32, #tpu.memory_space<vmem>>[vector<16xi32>], vector<16xf32>,
      %gather3A_763 = tpu.vector_load_idx %arg11[%add3A_758] : memref<16384xf32, #tpu.memory_space<vmem>>[vector<16xi32>], vector<16xf32>,
      %sub3A_764 = arith.constant 1.000000e+00 : f32
      %sub3A_765 = vector.broadcast %sub3A_764 : f32 to vector<16xf32>
      %sub3A_766 = arith.subf %sub3A_765, %exp3A_760 : vector<16xf32>
      %mul3A_767 = arith.mulf %sub3A_766, %mul3A_748 : vector<16xf32>
      %mul3A_768 = arith.mulf %mul3A_748, %exp3A_760 : vector<16xf32>
      %mul3A_769 = arith.mulf %mul3A_767, %gather3A_761 : vector<16xf32>
      %add3A_770 = arith.addf %add3A_750, %mul3A_769 : vector<16xf32>
      %mul3A_771 = arith.mulf %mul3A_767, %gather3A_762 : vector<16xf32>
      %add3A_772 = arith.addf %add3A_752, %mul3A_771 : vector<16xf32>
      %mul3A_773 = arith.mulf %mul3A_767, %gather3A_763 : vector<16xf32>
      %add3A_774 = arith.addf %add3A_754, %mul3A_773 : vector<16xf32>
      %add3A_775 = arith.addf %add3A_755, %mul3A_767 : vector<16xf32>
      %add3A_776 = arith.constant 37 : i32
      %add3A_777 = vector.broadcast %add3A_776 : i32 to vector<16xi32>
      %add3A_778 = arith.addi %add3A_35, %add3A_777 : vector<16xi32>
      %gather3A_779 = tpu.vector_load_idx %arg8[%add3A_778] : memref<16384xf32, #tpu.memory_space<vmem>>[vector<16xi32>], vector<16xf32>,
      %exp3A_780 = math.exp %gather3A_779 : vector<16xf32>
      %gather3A_781 = tpu.vector_load_idx %arg9[%add3A_778] : memref<16384xf32, #tpu.memory_space<vmem>>[vector<16xi32>], vector<16xf32>,
      %gather3A_782 = tpu.vector_load_idx %arg10[%add3A_778] : memref<16384xf32, #tpu.memory_space<vmem>>[vector<16xi32>], vector<16xf32>,
      %gather3A_783 = tpu.vector_load_idx %arg11[%add3A_778] : memref<16384xf32, #tpu.memory_space<vmem>>[vector<16xi32>], vector<16xf32>,
      %sub3A_784 = arith.constant 1.000000e+00 : f32
      %sub3A_785 = vector.broadcast %sub3A_784 : f32 to vector<16xf32>
      %sub3A_786 = arith.subf %sub3A_785, %exp3A_780 : vector<16xf32>
      %mul3A_787 = arith.mulf %sub3A_786, %mul3A_768 : vector<16xf32>
      %mul3A_788 = arith.mulf %mul3A_768, %exp3A_780 : vector<16xf32>
      %mul3A_789 = arith.mulf %mul3A_787, %gather3A_781 : vector<16xf32>
      %add3A_790 = arith.addf %add3A_770, %mul3A_789 : vector<16xf32>
      %mul3A_791 = arith.mulf %mul3A_787, %gather3A_782 : vector<16xf32>
      %add3A_792 = arith.addf %add3A_772, %mul3A_791 : vector<16xf32>
      %mul3A_793 = arith.mulf %mul3A_787, %gather3A_783 : vector<16xf32>
      %add3A_794 = arith.addf %add3A_774, %mul3A_793 : vector<16xf32>
      %add3A_795 = arith.addf %add3A_775, %mul3A_787 : vector<16xf32>
      %add3A_796 = arith.constant 38 : i32
      %add3A_797 = vector.broadcast %add3A_796 : i32 to vector<16xi32>
      %add3A_798 = arith.addi %add3A_35, %add3A_797 : vector<16xi32>
      %gather3A_799 = tpu.vector_load_idx %arg8[%add3A_798] : memref<16384xf32, #tpu.memory_space<vmem>>[vector<16xi32>], vector<16xf32>,
      %exp3A_800 = math.exp %gather3A_799 : vector<16xf32>
      %gather3A_801 = tpu.vector_load_idx %arg9[%add3A_798] : memref<16384xf32, #tpu.memory_space<vmem>>[vector<16xi32>], vector<16xf32>,
      %gather3A_802 = tpu.vector_load_idx %arg10[%add3A_798] : memref<16384xf32, #tpu.memory_space<vmem>>[vector<16xi32>], vector<16xf32>,
      %gather3A_803 = tpu.vector_load_idx %arg11[%add3A_798] : memref<16384xf32, #tpu.memory_space<vmem>>[vector<16xi32>], vector<16xf32>,
      %sub3A_804 = arith.constant 1.000000e+00 : f32
      %sub3A_805 = vector.broadcast %sub3A_804 : f32 to vector<16xf32>
      %sub3A_806 = arith.subf %sub3A_805, %exp3A_800 : vector<16xf32>
      %mul3A_807 = arith.mulf %sub3A_806, %mul3A_788 : vector<16xf32>
      %mul3A_808 = arith.mulf %mul3A_788, %exp3A_800 : vector<16xf32>
      %mul3A_809 = arith.mulf %mul3A_807, %gather3A_801 : vector<16xf32>
      %add3A_810 = arith.addf %add3A_790, %mul3A_809 : vector<16xf32>
      %mul3A_811 = arith.mulf %mul3A_807, %gather3A_802 : vector<16xf32>
      %add3A_812 = arith.addf %add3A_792, %mul3A_811 : vector<16xf32>
      %mul3A_813 = arith.mulf %mul3A_807, %gather3A_803 : vector<16xf32>
      %add3A_814 = arith.addf %add3A_794, %mul3A_813 : vector<16xf32>
      %add3A_815 = arith.addf %add3A_795, %mul3A_807 : vector<16xf32>
      %add3A_816 = arith.constant 39 : i32
      %add3A_817 = vector.broadcast %add3A_816 : i32 to vector<16xi32>
      %add3A_818 = arith.addi %add3A_35, %add3A_817 : vector<16xi32>
      %gather3A_819 = tpu.vector_load_idx %arg8[%add3A_818] : memref<16384xf32, #tpu.memory_space<vmem>>[vector<16xi32>], vector<16xf32>,
      %exp3A_820 = math.exp %gather3A_819 : vector<16xf32>
      %gather3A_821 = tpu.vector_load_idx %arg9[%add3A_818] : memref<16384xf32, #tpu.memory_space<vmem>>[vector<16xi32>], vector<16xf32>,
      %gather3A_822 = tpu.vector_load_idx %arg10[%add3A_818] : memref<16384xf32, #tpu.memory_space<vmem>>[vector<16xi32>], vector<16xf32>,
      %gather3A_823 = tpu.vector_load_idx %arg11[%add3A_818] : memref<16384xf32, #tpu.memory_space<vmem>>[vector<16xi32>], vector<16xf32>,
      %sub3A_824 = arith.constant 1.000000e+00 : f32
      %sub3A_825 = vector.broadcast %sub3A_824 : f32 to vector<16xf32>
      %sub3A_826 = arith.subf %sub3A_825, %exp3A_820 : vector<16xf32>
      %mul3A_827 = arith.mulf %sub3A_826, %mul3A_808 : vector<16xf32>
      %mul3A_828 = arith.mulf %mul3A_808, %exp3A_820 : vector<16xf32>
      %mul3A_829 = arith.mulf %mul3A_827, %gather3A_821 : vector<16xf32>
      %add3A_830 = arith.addf %add3A_810, %mul3A_829 : vector<16xf32>
      %mul3A_831 = arith.mulf %mul3A_827, %gather3A_822 : vector<16xf32>
      %add3A_832 = arith.addf %add3A_812, %mul3A_831 : vector<16xf32>
      %mul3A_833 = arith.mulf %mul3A_827, %gather3A_823 : vector<16xf32>
      %add3A_834 = arith.addf %add3A_814, %mul3A_833 : vector<16xf32>
      %add3A_835 = arith.addf %add3A_815, %mul3A_827 : vector<16xf32>
      %add3A_836 = arith.constant 40 : i32
      %add3A_837 = vector.broadcast %add3A_836 : i32 to vector<16xi32>
      %add3A_838 = arith.addi %add3A_35, %add3A_837 : vector<16xi32>
      %gather3A_839 = tpu.vector_load_idx %arg8[%add3A_838] : memref<16384xf32, #tpu.memory_space<vmem>>[vector<16xi32>], vector<16xf32>,
      %exp3A_840 = math.exp %gather3A_839 : vector<16xf32>
      %gather3A_841 = tpu.vector_load_idx %arg9[%add3A_838] : memref<16384xf32, #tpu.memory_space<vmem>>[vector<16xi32>], vector<16xf32>,
      %gather3A_842 = tpu.vector_load_idx %arg10[%add3A_838] : memref<16384xf32, #tpu.memory_space<vmem>>[vector<16xi32>], vector<16xf32>,
      %gather3A_843 = tpu.vector_load_idx %arg11[%add3A_838] : memref<16384xf32, #tpu.memory_space<vmem>>[vector<16xi32>], vector<16xf32>,
      %sub3A_844 = arith.constant 1.000000e+00 : f32
      %sub3A_845 = vector.broadcast %sub3A_844 : f32 to vector<16xf32>
      %sub3A_846 = arith.subf %sub3A_845, %exp3A_840 : vector<16xf32>
      %mul3A_847 = arith.mulf %sub3A_846, %mul3A_828 : vector<16xf32>
      %mul3A_848 = arith.mulf %mul3A_828, %exp3A_840 : vector<16xf32>
      %mul3A_849 = arith.mulf %mul3A_847, %gather3A_841 : vector<16xf32>
      %add3A_850 = arith.addf %add3A_830, %mul3A_849 : vector<16xf32>
      %mul3A_851 = arith.mulf %mul3A_847, %gather3A_842 : vector<16xf32>
      %add3A_852 = arith.addf %add3A_832, %mul3A_851 : vector<16xf32>
      %mul3A_853 = arith.mulf %mul3A_847, %gather3A_843 : vector<16xf32>
      %add3A_854 = arith.addf %add3A_834, %mul3A_853 : vector<16xf32>
      %add3A_855 = arith.addf %add3A_835, %mul3A_847 : vector<16xf32>
      %add3A_856 = arith.constant 41 : i32
      %add3A_857 = vector.broadcast %add3A_856 : i32 to vector<16xi32>
      %add3A_858 = arith.addi %add3A_35, %add3A_857 : vector<16xi32>
      %gather3A_859 = tpu.vector_load_idx %arg8[%add3A_858] : memref<16384xf32, #tpu.memory_space<vmem>>[vector<16xi32>], vector<16xf32>,
      %exp3A_860 = math.exp %gather3A_859 : vector<16xf32>
      %gather3A_861 = tpu.vector_load_idx %arg9[%add3A_858] : memref<16384xf32, #tpu.memory_space<vmem>>[vector<16xi32>], vector<16xf32>,
      %gather3A_862 = tpu.vector_load_idx %arg10[%add3A_858] : memref<16384xf32, #tpu.memory_space<vmem>>[vector<16xi32>], vector<16xf32>,
      %gather3A_863 = tpu.vector_load_idx %arg11[%add3A_858] : memref<16384xf32, #tpu.memory_space<vmem>>[vector<16xi32>], vector<16xf32>,
      %sub3A_864 = arith.constant 1.000000e+00 : f32
      %sub3A_865 = vector.broadcast %sub3A_864 : f32 to vector<16xf32>
      %sub3A_866 = arith.subf %sub3A_865, %exp3A_860 : vector<16xf32>
      %mul3A_867 = arith.mulf %sub3A_866, %mul3A_848 : vector<16xf32>
      %mul3A_868 = arith.mulf %mul3A_848, %exp3A_860 : vector<16xf32>
      %mul3A_869 = arith.mulf %mul3A_867, %gather3A_861 : vector<16xf32>
      %add3A_870 = arith.addf %add3A_850, %mul3A_869 : vector<16xf32>
      %mul3A_871 = arith.mulf %mul3A_867, %gather3A_862 : vector<16xf32>
      %add3A_872 = arith.addf %add3A_852, %mul3A_871 : vector<16xf32>
      %mul3A_873 = arith.mulf %mul3A_867, %gather3A_863 : vector<16xf32>
      %add3A_874 = arith.addf %add3A_854, %mul3A_873 : vector<16xf32>
      %add3A_875 = arith.addf %add3A_855, %mul3A_867 : vector<16xf32>
      %add3A_876 = arith.constant 42 : i32
      %add3A_877 = vector.broadcast %add3A_876 : i32 to vector<16xi32>
      %add3A_878 = arith.addi %add3A_35, %add3A_877 : vector<16xi32>
      %gather3A_879 = tpu.vector_load_idx %arg8[%add3A_878] : memref<16384xf32, #tpu.memory_space<vmem>>[vector<16xi32>], vector<16xf32>,
      %exp3A_880 = math.exp %gather3A_879 : vector<16xf32>
      %gather3A_881 = tpu.vector_load_idx %arg9[%add3A_878] : memref<16384xf32, #tpu.memory_space<vmem>>[vector<16xi32>], vector<16xf32>,
      %gather3A_882 = tpu.vector_load_idx %arg10[%add3A_878] : memref<16384xf32, #tpu.memory_space<vmem>>[vector<16xi32>], vector<16xf32>,
      %gather3A_883 = tpu.vector_load_idx %arg11[%add3A_878] : memref<16384xf32, #tpu.memory_space<vmem>>[vector<16xi32>], vector<16xf32>,
      %sub3A_884 = arith.constant 1.000000e+00 : f32
      %sub3A_885 = vector.broadcast %sub3A_884 : f32 to vector<16xf32>
      %sub3A_886 = arith.subf %sub3A_885, %exp3A_880 : vector<16xf32>
      %mul3A_887 = arith.mulf %sub3A_886, %mul3A_868 : vector<16xf32>
      %mul3A_888 = arith.mulf %mul3A_868, %exp3A_880 : vector<16xf32>
      %mul3A_889 = arith.mulf %mul3A_887, %gather3A_881 : vector<16xf32>
      %add3A_890 = arith.addf %add3A_870, %mul3A_889 : vector<16xf32>
      %mul3A_891 = arith.mulf %mul3A_887, %gather3A_882 : vector<16xf32>
      %add3A_892 = arith.addf %add3A_872, %mul3A_891 : vector<16xf32>
      %mul3A_893 = arith.mulf %mul3A_887, %gather3A_883 : vector<16xf32>
      %add3A_894 = arith.addf %add3A_874, %mul3A_893 : vector<16xf32>
      %add3A_895 = arith.addf %add3A_875, %mul3A_887 : vector<16xf32>
      %add3A_896 = arith.constant 43 : i32
      %add3A_897 = vector.broadcast %add3A_896 : i32 to vector<16xi32>
      %add3A_898 = arith.addi %add3A_35, %add3A_897 : vector<16xi32>
      %gather3A_899 = tpu.vector_load_idx %arg8[%add3A_898] : memref<16384xf32, #tpu.memory_space<vmem>>[vector<16xi32>], vector<16xf32>,
      %exp3A_900 = math.exp %gather3A_899 : vector<16xf32>
      %gather3A_901 = tpu.vector_load_idx %arg9[%add3A_898] : memref<16384xf32, #tpu.memory_space<vmem>>[vector<16xi32>], vector<16xf32>,
      %gather3A_902 = tpu.vector_load_idx %arg10[%add3A_898] : memref<16384xf32, #tpu.memory_space<vmem>>[vector<16xi32>], vector<16xf32>,
      %gather3A_903 = tpu.vector_load_idx %arg11[%add3A_898] : memref<16384xf32, #tpu.memory_space<vmem>>[vector<16xi32>], vector<16xf32>,
      %sub3A_904 = arith.constant 1.000000e+00 : f32
      %sub3A_905 = vector.broadcast %sub3A_904 : f32 to vector<16xf32>
      %sub3A_906 = arith.subf %sub3A_905, %exp3A_900 : vector<16xf32>
      %mul3A_907 = arith.mulf %sub3A_906, %mul3A_888 : vector<16xf32>
      %mul3A_908 = arith.mulf %mul3A_888, %exp3A_900 : vector<16xf32>
      %mul3A_909 = arith.mulf %mul3A_907, %gather3A_901 : vector<16xf32>
      %add3A_910 = arith.addf %add3A_890, %mul3A_909 : vector<16xf32>
      %mul3A_911 = arith.mulf %mul3A_907, %gather3A_902 : vector<16xf32>
      %add3A_912 = arith.addf %add3A_892, %mul3A_911 : vector<16xf32>
      %mul3A_913 = arith.mulf %mul3A_907, %gather3A_903 : vector<16xf32>
      %add3A_914 = arith.addf %add3A_894, %mul3A_913 : vector<16xf32>
      %add3A_915 = arith.addf %add3A_895, %mul3A_907 : vector<16xf32>
      %add3A_916 = arith.constant 44 : i32
      %add3A_917 = vector.broadcast %add3A_916 : i32 to vector<16xi32>
      %add3A_918 = arith.addi %add3A_35, %add3A_917 : vector<16xi32>
      %gather3A_919 = tpu.vector_load_idx %arg8[%add3A_918] : memref<16384xf32, #tpu.memory_space<vmem>>[vector<16xi32>], vector<16xf32>,
      %exp3A_920 = math.exp %gather3A_919 : vector<16xf32>
      %gather3A_921 = tpu.vector_load_idx %arg9[%add3A_918] : memref<16384xf32, #tpu.memory_space<vmem>>[vector<16xi32>], vector<16xf32>,
      %gather3A_922 = tpu.vector_load_idx %arg10[%add3A_918] : memref<16384xf32, #tpu.memory_space<vmem>>[vector<16xi32>], vector<16xf32>,
      %gather3A_923 = tpu.vector_load_idx %arg11[%add3A_918] : memref<16384xf32, #tpu.memory_space<vmem>>[vector<16xi32>], vector<16xf32>,
      %sub3A_924 = arith.constant 1.000000e+00 : f32
      %sub3A_925 = vector.broadcast %sub3A_924 : f32 to vector<16xf32>
      %sub3A_926 = arith.subf %sub3A_925, %exp3A_920 : vector<16xf32>
      %mul3A_927 = arith.mulf %sub3A_926, %mul3A_908 : vector<16xf32>
      %mul3A_928 = arith.mulf %mul3A_908, %exp3A_920 : vector<16xf32>
      %mul3A_929 = arith.mulf %mul3A_927, %gather3A_921 : vector<16xf32>
      %add3A_930 = arith.addf %add3A_910, %mul3A_929 : vector<16xf32>
      %mul3A_931 = arith.mulf %mul3A_927, %gather3A_922 : vector<16xf32>
      %add3A_932 = arith.addf %add3A_912, %mul3A_931 : vector<16xf32>
      %mul3A_933 = arith.mulf %mul3A_927, %gather3A_923 : vector<16xf32>
      %add3A_934 = arith.addf %add3A_914, %mul3A_933 : vector<16xf32>
      %add3A_935 = arith.addf %add3A_915, %mul3A_927 : vector<16xf32>
      %add3A_936 = arith.constant 45 : i32
      %add3A_937 = vector.broadcast %add3A_936 : i32 to vector<16xi32>
      %add3A_938 = arith.addi %add3A_35, %add3A_937 : vector<16xi32>
      %gather3A_939 = tpu.vector_load_idx %arg8[%add3A_938] : memref<16384xf32, #tpu.memory_space<vmem>>[vector<16xi32>], vector<16xf32>,
      %exp3A_940 = math.exp %gather3A_939 : vector<16xf32>
      %gather3A_941 = tpu.vector_load_idx %arg9[%add3A_938] : memref<16384xf32, #tpu.memory_space<vmem>>[vector<16xi32>], vector<16xf32>,
      %gather3A_942 = tpu.vector_load_idx %arg10[%add3A_938] : memref<16384xf32, #tpu.memory_space<vmem>>[vector<16xi32>], vector<16xf32>,
      %gather3A_943 = tpu.vector_load_idx %arg11[%add3A_938] : memref<16384xf32, #tpu.memory_space<vmem>>[vector<16xi32>], vector<16xf32>,
      %sub3A_944 = arith.constant 1.000000e+00 : f32
      %sub3A_945 = vector.broadcast %sub3A_944 : f32 to vector<16xf32>
      %sub3A_946 = arith.subf %sub3A_945, %exp3A_940 : vector<16xf32>
      %mul3A_947 = arith.mulf %sub3A_946, %mul3A_928 : vector<16xf32>
      %mul3A_948 = arith.mulf %mul3A_928, %exp3A_940 : vector<16xf32>
      %mul3A_949 = arith.mulf %mul3A_947, %gather3A_941 : vector<16xf32>
      %add3A_950 = arith.addf %add3A_930, %mul3A_949 : vector<16xf32>
      %mul3A_951 = arith.mulf %mul3A_947, %gather3A_942 : vector<16xf32>
      %add3A_952 = arith.addf %add3A_932, %mul3A_951 : vector<16xf32>
      %mul3A_953 = arith.mulf %mul3A_947, %gather3A_943 : vector<16xf32>
      %add3A_954 = arith.addf %add3A_934, %mul3A_953 : vector<16xf32>
      %add3A_955 = arith.addf %add3A_935, %mul3A_947 : vector<16xf32>
      %add3A_956 = arith.constant 46 : i32
      %add3A_957 = vector.broadcast %add3A_956 : i32 to vector<16xi32>
      %add3A_958 = arith.addi %add3A_35, %add3A_957 : vector<16xi32>
      %gather3A_959 = tpu.vector_load_idx %arg8[%add3A_958] : memref<16384xf32, #tpu.memory_space<vmem>>[vector<16xi32>], vector<16xf32>,
      %exp3A_960 = math.exp %gather3A_959 : vector<16xf32>
      %gather3A_961 = tpu.vector_load_idx %arg9[%add3A_958] : memref<16384xf32, #tpu.memory_space<vmem>>[vector<16xi32>], vector<16xf32>,
      %gather3A_962 = tpu.vector_load_idx %arg10[%add3A_958] : memref<16384xf32, #tpu.memory_space<vmem>>[vector<16xi32>], vector<16xf32>,
      %gather3A_963 = tpu.vector_load_idx %arg11[%add3A_958] : memref<16384xf32, #tpu.memory_space<vmem>>[vector<16xi32>], vector<16xf32>,
      %sub3A_964 = arith.constant 1.000000e+00 : f32
      %sub3A_965 = vector.broadcast %sub3A_964 : f32 to vector<16xf32>
      %sub3A_966 = arith.subf %sub3A_965, %exp3A_960 : vector<16xf32>
      %mul3A_967 = arith.mulf %sub3A_966, %mul3A_948 : vector<16xf32>
      %mul3A_968 = arith.mulf %mul3A_948, %exp3A_960 : vector<16xf32>
      %mul3A_969 = arith.mulf %mul3A_967, %gather3A_961 : vector<16xf32>
      %add3A_970 = arith.addf %add3A_950, %mul3A_969 : vector<16xf32>
      %mul3A_971 = arith.mulf %mul3A_967, %gather3A_962 : vector<16xf32>
      %add3A_972 = arith.addf %add3A_952, %mul3A_971 : vector<16xf32>
      %mul3A_973 = arith.mulf %mul3A_967, %gather3A_963 : vector<16xf32>
      %add3A_974 = arith.addf %add3A_954, %mul3A_973 : vector<16xf32>
      %add3A_975 = arith.addf %add3A_955, %mul3A_967 : vector<16xf32>
      %add3A_976 = arith.constant 47 : i32
      %add3A_977 = vector.broadcast %add3A_976 : i32 to vector<16xi32>
      %add3A_978 = arith.addi %add3A_35, %add3A_977 : vector<16xi32>
      %gather3A_979 = tpu.vector_load_idx %arg8[%add3A_978] : memref<16384xf32, #tpu.memory_space<vmem>>[vector<16xi32>], vector<16xf32>,
      %exp3A_980 = math.exp %gather3A_979 : vector<16xf32>
      %gather3A_981 = tpu.vector_load_idx %arg9[%add3A_978] : memref<16384xf32, #tpu.memory_space<vmem>>[vector<16xi32>], vector<16xf32>,
      %gather3A_982 = tpu.vector_load_idx %arg10[%add3A_978] : memref<16384xf32, #tpu.memory_space<vmem>>[vector<16xi32>], vector<16xf32>,
      %gather3A_983 = tpu.vector_load_idx %arg11[%add3A_978] : memref<16384xf32, #tpu.memory_space<vmem>>[vector<16xi32>], vector<16xf32>,
      %sub3A_984 = arith.constant 1.000000e+00 : f32
      %sub3A_985 = vector.broadcast %sub3A_984 : f32 to vector<16xf32>
      %sub3A_986 = arith.subf %sub3A_985, %exp3A_980 : vector<16xf32>
      %mul3A_987 = arith.mulf %sub3A_986, %mul3A_968 : vector<16xf32>
      %mul3A_988 = arith.mulf %mul3A_968, %exp3A_980 : vector<16xf32>
      %mul3A_989 = arith.mulf %mul3A_987, %gather3A_981 : vector<16xf32>
      %add3A_990 = arith.addf %add3A_970, %mul3A_989 : vector<16xf32>
      %mul3A_991 = arith.mulf %mul3A_987, %gather3A_982 : vector<16xf32>
      %add3A_992 = arith.addf %add3A_972, %mul3A_991 : vector<16xf32>
      %mul3A_993 = arith.mulf %mul3A_987, %gather3A_983 : vector<16xf32>
      %add3A_994 = arith.addf %add3A_974, %mul3A_993 : vector<16xf32>
      %add3A_995 = arith.addf %add3A_975, %mul3A_987 : vector<16xf32>
      %add3A_996 = arith.constant 48 : i32
      %add3A_997 = vector.broadcast %add3A_996 : i32 to vector<16xi32>
      %add3A_998 = arith.addi %add3A_35, %add3A_997 : vector<16xi32>
      %gather3A_999 = tpu.vector_load_idx %arg8[%add3A_998] : memref<16384xf32, #tpu.memory_space<vmem>>[vector<16xi32>], vector<16xf32>,
      %exp3A_1000 = math.exp %gather3A_999 : vector<16xf32>
      %gather3A_1001 = tpu.vector_load_idx %arg9[%add3A_998] : memref<16384xf32, #tpu.memory_space<vmem>>[vector<16xi32>], vector<16xf32>,
      %gather3A_1002 = tpu.vector_load_idx %arg10[%add3A_998] : memref<16384xf32, #tpu.memory_space<vmem>>[vector<16xi32>], vector<16xf32>,
      %gather3A_1003 = tpu.vector_load_idx %arg11[%add3A_998] : memref<16384xf32, #tpu.memory_space<vmem>>[vector<16xi32>], vector<16xf32>,
      %sub3A_1004 = arith.constant 1.000000e+00 : f32
      %sub3A_1005 = vector.broadcast %sub3A_1004 : f32 to vector<16xf32>
      %sub3A_1006 = arith.subf %sub3A_1005, %exp3A_1000 : vector<16xf32>
      %mul3A_1007 = arith.mulf %sub3A_1006, %mul3A_988 : vector<16xf32>
      %mul3A_1008 = arith.mulf %mul3A_988, %exp3A_1000 : vector<16xf32>
      %mul3A_1009 = arith.mulf %mul3A_1007, %gather3A_1001 : vector<16xf32>
      %add3A_1010 = arith.addf %add3A_990, %mul3A_1009 : vector<16xf32>
      %mul3A_1011 = arith.mulf %mul3A_1007, %gather3A_1002 : vector<16xf32>
      %add3A_1012 = arith.addf %add3A_992, %mul3A_1011 : vector<16xf32>
      %mul3A_1013 = arith.mulf %mul3A_1007, %gather3A_1003 : vector<16xf32>
      %add3A_1014 = arith.addf %add3A_994, %mul3A_1013 : vector<16xf32>
      %add3A_1015 = arith.addf %add3A_995, %mul3A_1007 : vector<16xf32>
      %add3A_1016 = arith.constant 49 : i32
      %add3A_1017 = vector.broadcast %add3A_1016 : i32 to vector<16xi32>
      %add3A_1018 = arith.addi %add3A_35, %add3A_1017 : vector<16xi32>
      %gather3A_1019 = tpu.vector_load_idx %arg8[%add3A_1018] : memref<16384xf32, #tpu.memory_space<vmem>>[vector<16xi32>], vector<16xf32>,
      %exp3A_1020 = math.exp %gather3A_1019 : vector<16xf32>
      %gather3A_1021 = tpu.vector_load_idx %arg9[%add3A_1018] : memref<16384xf32, #tpu.memory_space<vmem>>[vector<16xi32>], vector<16xf32>,
      %gather3A_1022 = tpu.vector_load_idx %arg10[%add3A_1018] : memref<16384xf32, #tpu.memory_space<vmem>>[vector<16xi32>], vector<16xf32>,
      %gather3A_1023 = tpu.vector_load_idx %arg11[%add3A_1018] : memref<16384xf32, #tpu.memory_space<vmem>>[vector<16xi32>], vector<16xf32>,
      %sub3A_1024 = arith.constant 1.000000e+00 : f32
      %sub3A_1025 = vector.broadcast %sub3A_1024 : f32 to vector<16xf32>
      %sub3A_1026 = arith.subf %sub3A_1025, %exp3A_1020 : vector<16xf32>
      %mul3A_1027 = arith.mulf %sub3A_1026, %mul3A_1008 : vector<16xf32>
      %mul3A_1028 = arith.mulf %mul3A_1008, %exp3A_1020 : vector<16xf32>
      %mul3A_1029 = arith.mulf %mul3A_1027, %gather3A_1021 : vector<16xf32>
      %add3A_1030 = arith.addf %add3A_1010, %mul3A_1029 : vector<16xf32>
      %mul3A_1031 = arith.mulf %mul3A_1027, %gather3A_1022 : vector<16xf32>
      %add3A_1032 = arith.addf %add3A_1012, %mul3A_1031 : vector<16xf32>
      %mul3A_1033 = arith.mulf %mul3A_1027, %gather3A_1023 : vector<16xf32>
      %add3A_1034 = arith.addf %add3A_1014, %mul3A_1033 : vector<16xf32>
      %add3A_1035 = arith.addf %add3A_1015, %mul3A_1027 : vector<16xf32>
      %add3A_1036 = arith.constant 50 : i32
      %add3A_1037 = vector.broadcast %add3A_1036 : i32 to vector<16xi32>
      %add3A_1038 = arith.addi %add3A_35, %add3A_1037 : vector<16xi32>
      %gather3A_1039 = tpu.vector_load_idx %arg8[%add3A_1038] : memref<16384xf32, #tpu.memory_space<vmem>>[vector<16xi32>], vector<16xf32>,
      %exp3A_1040 = math.exp %gather3A_1039 : vector<16xf32>
      %gather3A_1041 = tpu.vector_load_idx %arg9[%add3A_1038] : memref<16384xf32, #tpu.memory_space<vmem>>[vector<16xi32>], vector<16xf32>,
      %gather3A_1042 = tpu.vector_load_idx %arg10[%add3A_1038] : memref<16384xf32, #tpu.memory_space<vmem>>[vector<16xi32>], vector<16xf32>,
      %gather3A_1043 = tpu.vector_load_idx %arg11[%add3A_1038] : memref<16384xf32, #tpu.memory_space<vmem>>[vector<16xi32>], vector<16xf32>,
      %sub3A_1044 = arith.constant 1.000000e+00 : f32
      %sub3A_1045 = vector.broadcast %sub3A_1044 : f32 to vector<16xf32>
      %sub3A_1046 = arith.subf %sub3A_1045, %exp3A_1040 : vector<16xf32>
      %mul3A_1047 = arith.mulf %sub3A_1046, %mul3A_1028 : vector<16xf32>
      %mul3A_1048 = arith.mulf %mul3A_1028, %exp3A_1040 : vector<16xf32>
      %mul3A_1049 = arith.mulf %mul3A_1047, %gather3A_1041 : vector<16xf32>
      %add3A_1050 = arith.addf %add3A_1030, %mul3A_1049 : vector<16xf32>
      %mul3A_1051 = arith.mulf %mul3A_1047, %gather3A_1042 : vector<16xf32>
      %add3A_1052 = arith.addf %add3A_1032, %mul3A_1051 : vector<16xf32>
      %mul3A_1053 = arith.mulf %mul3A_1047, %gather3A_1043 : vector<16xf32>
      %add3A_1054 = arith.addf %add3A_1034, %mul3A_1053 : vector<16xf32>
      %add3A_1055 = arith.addf %add3A_1035, %mul3A_1047 : vector<16xf32>
      %add3A_1056 = arith.constant 51 : i32
      %add3A_1057 = vector.broadcast %add3A_1056 : i32 to vector<16xi32>
      %add3A_1058 = arith.addi %add3A_35, %add3A_1057 : vector<16xi32>
      %gather3A_1059 = tpu.vector_load_idx %arg8[%add3A_1058] : memref<16384xf32, #tpu.memory_space<vmem>>[vector<16xi32>], vector<16xf32>,
      %exp3A_1060 = math.exp %gather3A_1059 : vector<16xf32>
      %gather3A_1061 = tpu.vector_load_idx %arg9[%add3A_1058] : memref<16384xf32, #tpu.memory_space<vmem>>[vector<16xi32>], vector<16xf32>,
      %gather3A_1062 = tpu.vector_load_idx %arg10[%add3A_1058] : memref<16384xf32, #tpu.memory_space<vmem>>[vector<16xi32>], vector<16xf32>,
      %gather3A_1063 = tpu.vector_load_idx %arg11[%add3A_1058] : memref<16384xf32, #tpu.memory_space<vmem>>[vector<16xi32>], vector<16xf32>,
      %sub3A_1064 = arith.constant 1.000000e+00 : f32
      %sub3A_1065 = vector.broadcast %sub3A_1064 : f32 to vector<16xf32>
      %sub3A_1066 = arith.subf %sub3A_1065, %exp3A_1060 : vector<16xf32>
      %mul3A_1067 = arith.mulf %sub3A_1066, %mul3A_1048 : vector<16xf32>
      %mul3A_1068 = arith.mulf %mul3A_1048, %exp3A_1060 : vector<16xf32>
      %mul3A_1069 = arith.mulf %mul3A_1067, %gather3A_1061 : vector<16xf32>
      %add3A_1070 = arith.addf %add3A_1050, %mul3A_1069 : vector<16xf32>
      %mul3A_1071 = arith.mulf %mul3A_1067, %gather3A_1062 : vector<16xf32>
      %add3A_1072 = arith.addf %add3A_1052, %mul3A_1071 : vector<16xf32>
      %mul3A_1073 = arith.mulf %mul3A_1067, %gather3A_1063 : vector<16xf32>
      %add3A_1074 = arith.addf %add3A_1054, %mul3A_1073 : vector<16xf32>
      %add3A_1075 = arith.addf %add3A_1055, %mul3A_1067 : vector<16xf32>
      %add3A_1076 = arith.constant 52 : i32
      %add3A_1077 = vector.broadcast %add3A_1076 : i32 to vector<16xi32>
      %add3A_1078 = arith.addi %add3A_35, %add3A_1077 : vector<16xi32>
      %gather3A_1079 = tpu.vector_load_idx %arg8[%add3A_1078] : memref<16384xf32, #tpu.memory_space<vmem>>[vector<16xi32>], vector<16xf32>,
      %exp3A_1080 = math.exp %gather3A_1079 : vector<16xf32>
      %gather3A_1081 = tpu.vector_load_idx %arg9[%add3A_1078] : memref<16384xf32, #tpu.memory_space<vmem>>[vector<16xi32>], vector<16xf32>,
      %gather3A_1082 = tpu.vector_load_idx %arg10[%add3A_1078] : memref<16384xf32, #tpu.memory_space<vmem>>[vector<16xi32>], vector<16xf32>,
      %gather3A_1083 = tpu.vector_load_idx %arg11[%add3A_1078] : memref<16384xf32, #tpu.memory_space<vmem>>[vector<16xi32>], vector<16xf32>,
      %sub3A_1084 = arith.constant 1.000000e+00 : f32
      %sub3A_1085 = vector.broadcast %sub3A_1084 : f32 to vector<16xf32>
      %sub3A_1086 = arith.subf %sub3A_1085, %exp3A_1080 : vector<16xf32>
      %mul3A_1087 = arith.mulf %sub3A_1086, %mul3A_1068 : vector<16xf32>
      %mul3A_1088 = arith.mulf %mul3A_1068, %exp3A_1080 : vector<16xf32>
      %mul3A_1089 = arith.mulf %mul3A_1087, %gather3A_1081 : vector<16xf32>
      %add3A_1090 = arith.addf %add3A_1070, %mul3A_1089 : vector<16xf32>
      %mul3A_1091 = arith.mulf %mul3A_1087, %gather3A_1082 : vector<16xf32>
      %add3A_1092 = arith.addf %add3A_1072, %mul3A_1091 : vector<16xf32>
      %mul3A_1093 = arith.mulf %mul3A_1087, %gather3A_1083 : vector<16xf32>
      %add3A_1094 = arith.addf %add3A_1074, %mul3A_1093 : vector<16xf32>
      %add3A_1095 = arith.addf %add3A_1075, %mul3A_1087 : vector<16xf32>
      %add3A_1096 = arith.constant 53 : i32
      %add3A_1097 = vector.broadcast %add3A_1096 : i32 to vector<16xi32>
      %add3A_1098 = arith.addi %add3A_35, %add3A_1097 : vector<16xi32>
      %gather3A_1099 = tpu.vector_load_idx %arg8[%add3A_1098] : memref<16384xf32, #tpu.memory_space<vmem>>[vector<16xi32>], vector<16xf32>,
      %exp3A_1100 = math.exp %gather3A_1099 : vector<16xf32>
      %gather3A_1101 = tpu.vector_load_idx %arg9[%add3A_1098] : memref<16384xf32, #tpu.memory_space<vmem>>[vector<16xi32>], vector<16xf32>,
      %gather3A_1102 = tpu.vector_load_idx %arg10[%add3A_1098] : memref<16384xf32, #tpu.memory_space<vmem>>[vector<16xi32>], vector<16xf32>,
      %gather3A_1103 = tpu.vector_load_idx %arg11[%add3A_1098] : memref<16384xf32, #tpu.memory_space<vmem>>[vector<16xi32>], vector<16xf32>,
      %sub3A_1104 = arith.constant 1.000000e+00 : f32
      %sub3A_1105 = vector.broadcast %sub3A_1104 : f32 to vector<16xf32>
      %sub3A_1106 = arith.subf %sub3A_1105, %exp3A_1100 : vector<16xf32>
      %mul3A_1107 = arith.mulf %sub3A_1106, %mul3A_1088 : vector<16xf32>
      %mul3A_1108 = arith.mulf %mul3A_1088, %exp3A_1100 : vector<16xf32>
      %mul3A_1109 = arith.mulf %mul3A_1107, %gather3A_1101 : vector<16xf32>
      %add3A_1110 = arith.addf %add3A_1090, %mul3A_1109 : vector<16xf32>
      %mul3A_1111 = arith.mulf %mul3A_1107, %gather3A_1102 : vector<16xf32>
      %add3A_1112 = arith.addf %add3A_1092, %mul3A_1111 : vector<16xf32>
      %mul3A_1113 = arith.mulf %mul3A_1107, %gather3A_1103 : vector<16xf32>
      %add3A_1114 = arith.addf %add3A_1094, %mul3A_1113 : vector<16xf32>
      %add3A_1115 = arith.addf %add3A_1095, %mul3A_1107 : vector<16xf32>
      %add3A_1116 = arith.constant 54 : i32
      %add3A_1117 = vector.broadcast %add3A_1116 : i32 to vector<16xi32>
      %add3A_1118 = arith.addi %add3A_35, %add3A_1117 : vector<16xi32>
      %gather3A_1119 = tpu.vector_load_idx %arg8[%add3A_1118] : memref<16384xf32, #tpu.memory_space<vmem>>[vector<16xi32>], vector<16xf32>,
      %exp3A_1120 = math.exp %gather3A_1119 : vector<16xf32>
      %gather3A_1121 = tpu.vector_load_idx %arg9[%add3A_1118] : memref<16384xf32, #tpu.memory_space<vmem>>[vector<16xi32>], vector<16xf32>,
      %gather3A_1122 = tpu.vector_load_idx %arg10[%add3A_1118] : memref<16384xf32, #tpu.memory_space<vmem>>[vector<16xi32>], vector<16xf32>,
      %gather3A_1123 = tpu.vector_load_idx %arg11[%add3A_1118] : memref<16384xf32, #tpu.memory_space<vmem>>[vector<16xi32>], vector<16xf32>,
      %sub3A_1124 = arith.constant 1.000000e+00 : f32
      %sub3A_1125 = vector.broadcast %sub3A_1124 : f32 to vector<16xf32>
      %sub3A_1126 = arith.subf %sub3A_1125, %exp3A_1120 : vector<16xf32>
      %mul3A_1127 = arith.mulf %sub3A_1126, %mul3A_1108 : vector<16xf32>
      %mul3A_1128 = arith.mulf %mul3A_1108, %exp3A_1120 : vector<16xf32>
      %mul3A_1129 = arith.mulf %mul3A_1127, %gather3A_1121 : vector<16xf32>
      %add3A_1130 = arith.addf %add3A_1110, %mul3A_1129 : vector<16xf32>
      %mul3A_1131 = arith.mulf %mul3A_1127, %gather3A_1122 : vector<16xf32>
      %add3A_1132 = arith.addf %add3A_1112, %mul3A_1131 : vector<16xf32>
      %mul3A_1133 = arith.mulf %mul3A_1127, %gather3A_1123 : vector<16xf32>
      %add3A_1134 = arith.addf %add3A_1114, %mul3A_1133 : vector<16xf32>
      %add3A_1135 = arith.addf %add3A_1115, %mul3A_1127 : vector<16xf32>
      %add3A_1136 = arith.constant 55 : i32
      %add3A_1137 = vector.broadcast %add3A_1136 : i32 to vector<16xi32>
      %add3A_1138 = arith.addi %add3A_35, %add3A_1137 : vector<16xi32>
      %gather3A_1139 = tpu.vector_load_idx %arg8[%add3A_1138] : memref<16384xf32, #tpu.memory_space<vmem>>[vector<16xi32>], vector<16xf32>,
      %exp3A_1140 = math.exp %gather3A_1139 : vector<16xf32>
      %gather3A_1141 = tpu.vector_load_idx %arg9[%add3A_1138] : memref<16384xf32, #tpu.memory_space<vmem>>[vector<16xi32>], vector<16xf32>,
      %gather3A_1142 = tpu.vector_load_idx %arg10[%add3A_1138] : memref<16384xf32, #tpu.memory_space<vmem>>[vector<16xi32>], vector<16xf32>,
      %gather3A_1143 = tpu.vector_load_idx %arg11[%add3A_1138] : memref<16384xf32, #tpu.memory_space<vmem>>[vector<16xi32>], vector<16xf32>,
      %sub3A_1144 = arith.constant 1.000000e+00 : f32
      %sub3A_1145 = vector.broadcast %sub3A_1144 : f32 to vector<16xf32>
      %sub3A_1146 = arith.subf %sub3A_1145, %exp3A_1140 : vector<16xf32>
      %mul3A_1147 = arith.mulf %sub3A_1146, %mul3A_1128 : vector<16xf32>
      %mul3A_1148 = arith.mulf %mul3A_1128, %exp3A_1140 : vector<16xf32>
      %mul3A_1149 = arith.mulf %mul3A_1147, %gather3A_1141 : vector<16xf32>
      %add3A_1150 = arith.addf %add3A_1130, %mul3A_1149 : vector<16xf32>
      %mul3A_1151 = arith.mulf %mul3A_1147, %gather3A_1142 : vector<16xf32>
      %add3A_1152 = arith.addf %add3A_1132, %mul3A_1151 : vector<16xf32>
      %mul3A_1153 = arith.mulf %mul3A_1147, %gather3A_1143 : vector<16xf32>
      %add3A_1154 = arith.addf %add3A_1134, %mul3A_1153 : vector<16xf32>
      %add3A_1155 = arith.addf %add3A_1135, %mul3A_1147 : vector<16xf32>
      %add3A_1156 = arith.constant 56 : i32
      %add3A_1157 = vector.broadcast %add3A_1156 : i32 to vector<16xi32>
      %add3A_1158 = arith.addi %add3A_35, %add3A_1157 : vector<16xi32>
      %gather3A_1159 = tpu.vector_load_idx %arg8[%add3A_1158] : memref<16384xf32, #tpu.memory_space<vmem>>[vector<16xi32>], vector<16xf32>,
      %exp3A_1160 = math.exp %gather3A_1159 : vector<16xf32>
      %gather3A_1161 = tpu.vector_load_idx %arg9[%add3A_1158] : memref<16384xf32, #tpu.memory_space<vmem>>[vector<16xi32>], vector<16xf32>,
      %gather3A_1162 = tpu.vector_load_idx %arg10[%add3A_1158] : memref<16384xf32, #tpu.memory_space<vmem>>[vector<16xi32>], vector<16xf32>,
      %gather3A_1163 = tpu.vector_load_idx %arg11[%add3A_1158] : memref<16384xf32, #tpu.memory_space<vmem>>[vector<16xi32>], vector<16xf32>,
      %sub3A_1164 = arith.constant 1.000000e+00 : f32
      %sub3A_1165 = vector.broadcast %sub3A_1164 : f32 to vector<16xf32>
      %sub3A_1166 = arith.subf %sub3A_1165, %exp3A_1160 : vector<16xf32>
      %mul3A_1167 = arith.mulf %sub3A_1166, %mul3A_1148 : vector<16xf32>
      %mul3A_1168 = arith.mulf %mul3A_1148, %exp3A_1160 : vector<16xf32>
      %mul3A_1169 = arith.mulf %mul3A_1167, %gather3A_1161 : vector<16xf32>
      %add3A_1170 = arith.addf %add3A_1150, %mul3A_1169 : vector<16xf32>
      %mul3A_1171 = arith.mulf %mul3A_1167, %gather3A_1162 : vector<16xf32>
      %add3A_1172 = arith.addf %add3A_1152, %mul3A_1171 : vector<16xf32>
      %mul3A_1173 = arith.mulf %mul3A_1167, %gather3A_1163 : vector<16xf32>
      %add3A_1174 = arith.addf %add3A_1154, %mul3A_1173 : vector<16xf32>
      %add3A_1175 = arith.addf %add3A_1155, %mul3A_1167 : vector<16xf32>
      %add3A_1176 = arith.constant 57 : i32
      %add3A_1177 = vector.broadcast %add3A_1176 : i32 to vector<16xi32>
      %add3A_1178 = arith.addi %add3A_35, %add3A_1177 : vector<16xi32>
      %gather3A_1179 = tpu.vector_load_idx %arg8[%add3A_1178] : memref<16384xf32, #tpu.memory_space<vmem>>[vector<16xi32>], vector<16xf32>,
      %exp3A_1180 = math.exp %gather3A_1179 : vector<16xf32>
      %gather3A_1181 = tpu.vector_load_idx %arg9[%add3A_1178] : memref<16384xf32, #tpu.memory_space<vmem>>[vector<16xi32>], vector<16xf32>,
      %gather3A_1182 = tpu.vector_load_idx %arg10[%add3A_1178] : memref<16384xf32, #tpu.memory_space<vmem>>[vector<16xi32>], vector<16xf32>,
      %gather3A_1183 = tpu.vector_load_idx %arg11[%add3A_1178] : memref<16384xf32, #tpu.memory_space<vmem>>[vector<16xi32>], vector<16xf32>,
      %sub3A_1184 = arith.constant 1.000000e+00 : f32
      %sub3A_1185 = vector.broadcast %sub3A_1184 : f32 to vector<16xf32>
      %sub3A_1186 = arith.subf %sub3A_1185, %exp3A_1180 : vector<16xf32>
      %mul3A_1187 = arith.mulf %sub3A_1186, %mul3A_1168 : vector<16xf32>
      %mul3A_1188 = arith.mulf %mul3A_1168, %exp3A_1180 : vector<16xf32>
      %mul3A_1189 = arith.mulf %mul3A_1187, %gather3A_1181 : vector<16xf32>
      %add3A_1190 = arith.addf %add3A_1170, %mul3A_1189 : vector<16xf32>
      %mul3A_1191 = arith.mulf %mul3A_1187, %gather3A_1182 : vector<16xf32>
      %add3A_1192 = arith.addf %add3A_1172, %mul3A_1191 : vector<16xf32>
      %mul3A_1193 = arith.mulf %mul3A_1187, %gather3A_1183 : vector<16xf32>
      %add3A_1194 = arith.addf %add3A_1174, %mul3A_1193 : vector<16xf32>
      %add3A_1195 = arith.addf %add3A_1175, %mul3A_1187 : vector<16xf32>
      %add3A_1196 = arith.constant 58 : i32
      %add3A_1197 = vector.broadcast %add3A_1196 : i32 to vector<16xi32>
      %add3A_1198 = arith.addi %add3A_35, %add3A_1197 : vector<16xi32>
      %gather3A_1199 = tpu.vector_load_idx %arg8[%add3A_1198] : memref<16384xf32, #tpu.memory_space<vmem>>[vector<16xi32>], vector<16xf32>,
      %exp3A_1200 = math.exp %gather3A_1199 : vector<16xf32>
      %gather3A_1201 = tpu.vector_load_idx %arg9[%add3A_1198] : memref<16384xf32, #tpu.memory_space<vmem>>[vector<16xi32>], vector<16xf32>,
      %gather3A_1202 = tpu.vector_load_idx %arg10[%add3A_1198] : memref<16384xf32, #tpu.memory_space<vmem>>[vector<16xi32>], vector<16xf32>,
      %gather3A_1203 = tpu.vector_load_idx %arg11[%add3A_1198] : memref<16384xf32, #tpu.memory_space<vmem>>[vector<16xi32>], vector<16xf32>,
      %sub3A_1204 = arith.constant 1.000000e+00 : f32
      %sub3A_1205 = vector.broadcast %sub3A_1204 : f32 to vector<16xf32>
      %sub3A_1206 = arith.subf %sub3A_1205, %exp3A_1200 : vector<16xf32>
      %mul3A_1207 = arith.mulf %sub3A_1206, %mul3A_1188 : vector<16xf32>
      %mul3A_1208 = arith.mulf %mul3A_1188, %exp3A_1200 : vector<16xf32>
      %mul3A_1209 = arith.mulf %mul3A_1207, %gather3A_1201 : vector<16xf32>
      %add3A_1210 = arith.addf %add3A_1190, %mul3A_1209 : vector<16xf32>
      %mul3A_1211 = arith.mulf %mul3A_1207, %gather3A_1202 : vector<16xf32>
      %add3A_1212 = arith.addf %add3A_1192, %mul3A_1211 : vector<16xf32>
      %mul3A_1213 = arith.mulf %mul3A_1207, %gather3A_1203 : vector<16xf32>
      %add3A_1214 = arith.addf %add3A_1194, %mul3A_1213 : vector<16xf32>
      %add3A_1215 = arith.addf %add3A_1195, %mul3A_1207 : vector<16xf32>
      %add3A_1216 = arith.constant 59 : i32
      %add3A_1217 = vector.broadcast %add3A_1216 : i32 to vector<16xi32>
      %add3A_1218 = arith.addi %add3A_35, %add3A_1217 : vector<16xi32>
      %gather3A_1219 = tpu.vector_load_idx %arg8[%add3A_1218] : memref<16384xf32, #tpu.memory_space<vmem>>[vector<16xi32>], vector<16xf32>,
      %exp3A_1220 = math.exp %gather3A_1219 : vector<16xf32>
      %gather3A_1221 = tpu.vector_load_idx %arg9[%add3A_1218] : memref<16384xf32, #tpu.memory_space<vmem>>[vector<16xi32>], vector<16xf32>,
      %gather3A_1222 = tpu.vector_load_idx %arg10[%add3A_1218] : memref<16384xf32, #tpu.memory_space<vmem>>[vector<16xi32>], vector<16xf32>,
      %gather3A_1223 = tpu.vector_load_idx %arg11[%add3A_1218] : memref<16384xf32, #tpu.memory_space<vmem>>[vector<16xi32>], vector<16xf32>,
      %sub3A_1224 = arith.constant 1.000000e+00 : f32
      %sub3A_1225 = vector.broadcast %sub3A_1224 : f32 to vector<16xf32>
      %sub3A_1226 = arith.subf %sub3A_1225, %exp3A_1220 : vector<16xf32>
      %mul3A_1227 = arith.mulf %sub3A_1226, %mul3A_1208 : vector<16xf32>
      %mul3A_1228 = arith.mulf %mul3A_1208, %exp3A_1220 : vector<16xf32>
      %mul3A_1229 = arith.mulf %mul3A_1227, %gather3A_1221 : vector<16xf32>
      %add3A_1230 = arith.addf %add3A_1210, %mul3A_1229 : vector<16xf32>
      %mul3A_1231 = arith.mulf %mul3A_1227, %gather3A_1222 : vector<16xf32>
      %add3A_1232 = arith.addf %add3A_1212, %mul3A_1231 : vector<16xf32>
      %mul3A_1233 = arith.mulf %mul3A_1227, %gather3A_1223 : vector<16xf32>
      %add3A_1234 = arith.addf %add3A_1214, %mul3A_1233 : vector<16xf32>
      %add3A_1235 = arith.addf %add3A_1215, %mul3A_1227 : vector<16xf32>
      %add3A_1236 = arith.constant 60 : i32
      %add3A_1237 = vector.broadcast %add3A_1236 : i32 to vector<16xi32>
      %add3A_1238 = arith.addi %add3A_35, %add3A_1237 : vector<16xi32>
      %gather3A_1239 = tpu.vector_load_idx %arg8[%add3A_1238] : memref<16384xf32, #tpu.memory_space<vmem>>[vector<16xi32>], vector<16xf32>,
      %exp3A_1240 = math.exp %gather3A_1239 : vector<16xf32>
      %gather3A_1241 = tpu.vector_load_idx %arg9[%add3A_1238] : memref<16384xf32, #tpu.memory_space<vmem>>[vector<16xi32>], vector<16xf32>,
      %gather3A_1242 = tpu.vector_load_idx %arg10[%add3A_1238] : memref<16384xf32, #tpu.memory_space<vmem>>[vector<16xi32>], vector<16xf32>,
      %gather3A_1243 = tpu.vector_load_idx %arg11[%add3A_1238] : memref<16384xf32, #tpu.memory_space<vmem>>[vector<16xi32>], vector<16xf32>,
      %sub3A_1244 = arith.constant 1.000000e+00 : f32
      %sub3A_1245 = vector.broadcast %sub3A_1244 : f32 to vector<16xf32>
      %sub3A_1246 = arith.subf %sub3A_1245, %exp3A_1240 : vector<16xf32>
      %mul3A_1247 = arith.mulf %sub3A_1246, %mul3A_1228 : vector<16xf32>
      %mul3A_1248 = arith.mulf %mul3A_1228, %exp3A_1240 : vector<16xf32>
      %mul3A_1249 = arith.mulf %mul3A_1247, %gather3A_1241 : vector<16xf32>
      %add3A_1250 = arith.addf %add3A_1230, %mul3A_1249 : vector<16xf32>
      %mul3A_1251 = arith.mulf %mul3A_1247, %gather3A_1242 : vector<16xf32>
      %add3A_1252 = arith.addf %add3A_1232, %mul3A_1251 : vector<16xf32>
      %mul3A_1253 = arith.mulf %mul3A_1247, %gather3A_1243 : vector<16xf32>
      %add3A_1254 = arith.addf %add3A_1234, %mul3A_1253 : vector<16xf32>
      %add3A_1255 = arith.addf %add3A_1235, %mul3A_1247 : vector<16xf32>
      %add3A_1256 = arith.constant 61 : i32
      %add3A_1257 = vector.broadcast %add3A_1256 : i32 to vector<16xi32>
      %add3A_1258 = arith.addi %add3A_35, %add3A_1257 : vector<16xi32>
      %gather3A_1259 = tpu.vector_load_idx %arg8[%add3A_1258] : memref<16384xf32, #tpu.memory_space<vmem>>[vector<16xi32>], vector<16xf32>,
      %exp3A_1260 = math.exp %gather3A_1259 : vector<16xf32>
      %gather3A_1261 = tpu.vector_load_idx %arg9[%add3A_1258] : memref<16384xf32, #tpu.memory_space<vmem>>[vector<16xi32>], vector<16xf32>,
      %gather3A_1262 = tpu.vector_load_idx %arg10[%add3A_1258] : memref<16384xf32, #tpu.memory_space<vmem>>[vector<16xi32>], vector<16xf32>,
      %gather3A_1263 = tpu.vector_load_idx %arg11[%add3A_1258] : memref<16384xf32, #tpu.memory_space<vmem>>[vector<16xi32>], vector<16xf32>,
      %sub3A_1264 = arith.constant 1.000000e+00 : f32
      %sub3A_1265 = vector.broadcast %sub3A_1264 : f32 to vector<16xf32>
      %sub3A_1266 = arith.subf %sub3A_1265, %exp3A_1260 : vector<16xf32>
      %mul3A_1267 = arith.mulf %sub3A_1266, %mul3A_1248 : vector<16xf32>
      %mul3A_1268 = arith.mulf %mul3A_1248, %exp3A_1260 : vector<16xf32>
      %mul3A_1269 = arith.mulf %mul3A_1267, %gather3A_1261 : vector<16xf32>
      %add3A_1270 = arith.addf %add3A_1250, %mul3A_1269 : vector<16xf32>
      %mul3A_1271 = arith.mulf %mul3A_1267, %gather3A_1262 : vector<16xf32>
      %add3A_1272 = arith.addf %add3A_1252, %mul3A_1271 : vector<16xf32>
      %mul3A_1273 = arith.mulf %mul3A_1267, %gather3A_1263 : vector<16xf32>
      %add3A_1274 = arith.addf %add3A_1254, %mul3A_1273 : vector<16xf32>
      %add3A_1275 = arith.addf %add3A_1255, %mul3A_1267 : vector<16xf32>
      %add3A_1276 = arith.constant 62 : i32
      %add3A_1277 = vector.broadcast %add3A_1276 : i32 to vector<16xi32>
      %add3A_1278 = arith.addi %add3A_35, %add3A_1277 : vector<16xi32>
      %gather3A_1279 = tpu.vector_load_idx %arg8[%add3A_1278] : memref<16384xf32, #tpu.memory_space<vmem>>[vector<16xi32>], vector<16xf32>,
      %exp3A_1280 = math.exp %gather3A_1279 : vector<16xf32>
      %gather3A_1281 = tpu.vector_load_idx %arg9[%add3A_1278] : memref<16384xf32, #tpu.memory_space<vmem>>[vector<16xi32>], vector<16xf32>,
      %gather3A_1282 = tpu.vector_load_idx %arg10[%add3A_1278] : memref<16384xf32, #tpu.memory_space<vmem>>[vector<16xi32>], vector<16xf32>,
      %gather3A_1283 = tpu.vector_load_idx %arg11[%add3A_1278] : memref<16384xf32, #tpu.memory_space<vmem>>[vector<16xi32>], vector<16xf32>,
      %sub3A_1284 = arith.constant 1.000000e+00 : f32
      %sub3A_1285 = vector.broadcast %sub3A_1284 : f32 to vector<16xf32>
      %sub3A_1286 = arith.subf %sub3A_1285, %exp3A_1280 : vector<16xf32>
      %mul3A_1287 = arith.mulf %sub3A_1286, %mul3A_1268 : vector<16xf32>
      %mul3A_1288 = arith.mulf %mul3A_1268, %exp3A_1280 : vector<16xf32>
      %mul3A_1289 = arith.mulf %mul3A_1287, %gather3A_1281 : vector<16xf32>
      %add3A_1290 = arith.addf %add3A_1270, %mul3A_1289 : vector<16xf32>
      %mul3A_1291 = arith.mulf %mul3A_1287, %gather3A_1282 : vector<16xf32>
      %add3A_1292 = arith.addf %add3A_1272, %mul3A_1291 : vector<16xf32>
      %mul3A_1293 = arith.mulf %mul3A_1287, %gather3A_1283 : vector<16xf32>
      %add3A_1294 = arith.addf %add3A_1274, %mul3A_1293 : vector<16xf32>
      %add3A_1295 = arith.addf %add3A_1275, %mul3A_1287 : vector<16xf32>
      %add3A_1296 = arith.constant 63 : i32
      %add3A_1297 = vector.broadcast %add3A_1296 : i32 to vector<16xi32>
      %add3A_1298 = arith.addi %add3A_35, %add3A_1297 : vector<16xi32>
      %gather3A_1299 = tpu.vector_load_idx %arg8[%add3A_1298] : memref<16384xf32, #tpu.memory_space<vmem>>[vector<16xi32>], vector<16xf32>,
      %exp3A_1300 = math.exp %gather3A_1299 : vector<16xf32>
      %gather3A_1301 = tpu.vector_load_idx %arg9[%add3A_1298] : memref<16384xf32, #tpu.memory_space<vmem>>[vector<16xi32>], vector<16xf32>,
      %gather3A_1302 = tpu.vector_load_idx %arg10[%add3A_1298] : memref<16384xf32, #tpu.memory_space<vmem>>[vector<16xi32>], vector<16xf32>,
      %gather3A_1303 = tpu.vector_load_idx %arg11[%add3A_1298] : memref<16384xf32, #tpu.memory_space<vmem>>[vector<16xi32>], vector<16xf32>,
      %sub3A_1304 = arith.constant 1.000000e+00 : f32
      %sub3A_1305 = vector.broadcast %sub3A_1304 : f32 to vector<16xf32>
      %sub3A_1306 = arith.subf %sub3A_1305, %exp3A_1300 : vector<16xf32>
      %mul3A_1307 = arith.mulf %sub3A_1306, %mul3A_1288 : vector<16xf32>
      %mul3A_1308 = arith.mulf %mul3A_1288, %exp3A_1300 : vector<16xf32>
      %mul3A_1309 = arith.mulf %mul3A_1307, %gather3A_1301 : vector<16xf32>
      %add3A_1310 = arith.addf %add3A_1290, %mul3A_1309 : vector<16xf32>
      %mul3A_1311 = arith.mulf %mul3A_1307, %gather3A_1302 : vector<16xf32>
      %add3A_1312 = arith.addf %add3A_1292, %mul3A_1311 : vector<16xf32>
      %mul3A_1313 = arith.mulf %mul3A_1307, %gather3A_1303 : vector<16xf32>
      %add3A_1314 = arith.addf %add3A_1294, %mul3A_1313 : vector<16xf32>
      %add3A_1315 = arith.addf %add3A_1295, %mul3A_1307 : vector<16xf32>
      %sub3A_1316 = arith.constant 1.000000e+00 : f32
      %sub3A_1317 = vector.broadcast %sub3A_1316 : f32 to vector<16xf32>
      %sub3A_1318 = arith.subf %sub3A_1317, %add3A_1315 : vector<16xf32>
      %mul3A_1319 = arith.constant 16 : i32
      %mul3A_1320 = arith.muli %scan3A_30, %mul3A_1319 : i32
      %add3A_1321 = vector.broadcast %mul3A_1320 : i32 to vector<16xi32>
      %add3A_1322 = arith.addi %add3A_1321, %iota3A : vector<16xi32>
      %mul3A_1323 = arith.constant 3 : i32
      %mul3A_1324 = vector.broadcast %mul3A_1323 : i32 to vector<16xi32>
      %mul3A_1325 = arith.muli %add3A_1322, %mul3A_1324 : vector<16xi32>
      %get3A = arith.constant 0 : index
      %get3A_1326 = tpu.vector_load %arg12[%get3A] {strides = array<i32>} : memref<48xf32, #tpu.memory_space<vmem>>, vector<16xf32>,
      %mul3A_1327 = arith.mulf %get3A_1326, %sub3A_1318 : vector<16xf32>
      %add3A_1328 = arith.addf %add3A_1310, %mul3A_1327 : vector<16xf32>
      tpu.vector_store_idx %arg13[%mul3A_1325], %add3A_1328 : memref<768xf32, #tpu.memory_space<vmem>>[vector<16xi32>], vector<16xf32>,
      %add3A_1329 = arith.constant 1 : i32
      %add3A_1330 = vector.broadcast %add3A_1329 : i32 to vector<16xi32>
      %add3A_1331 = arith.addi %mul3A_1325, %add3A_1330 : vector<16xi32>
      %get3A_1332 = arith.constant 16 : index
      %get3A_1333 = tpu.vector_load %arg12[%get3A_1332] {strides = array<i32>} : memref<48xf32, #tpu.memory_space<vmem>>, vector<16xf32>,
      %mul3A_1334 = arith.mulf %get3A_1333, %sub3A_1318 : vector<16xf32>
      %add3A_1335 = arith.addf %add3A_1312, %mul3A_1334 : vector<16xf32>
      tpu.vector_store_idx %arg13[%add3A_1331], %add3A_1335 : memref<768xf32, #tpu.memory_space<vmem>>[vector<16xi32>], vector<16xf32>,
      %add3A_1336 = arith.constant 2 : i32
      %add3A_1337 = vector.broadcast %add3A_1336 : i32 to vector<16xi32>
      %add3A_1338 = arith.addi %mul3A_1325, %add3A_1337 : vector<16xi32>
      %get3A_1339 = arith.constant 32 : index
      %get3A_1340 = tpu.vector_load %arg12[%get3A_1339] {strides = array<i32>} : memref<48xf32, #tpu.memory_space<vmem>>, vector<16xf32>,
      %mul3A_1341 = arith.mulf %get3A_1340, %sub3A_1318 : vector<16xf32>
      %add3A_1342 = arith.addf %add3A_1314, %mul3A_1341 : vector<16xf32>
      tpu.vector_store_idx %arg13[%add3A_1338], %add3A_1342 : memref<768xf32, #tpu.memory_space<vmem>>[vector<16xi32>], vector<16xf32>,
      %scan3A_1343 = arith.constant 0 : i32
      scf.yield %scan3A_1343 : i32
    }
    %scan3A_25 = arith.constant 16 : i32
    %mul3A_26 = arith.constant 256 : i32
    %mul3A_27 = arith.muli %add3A, %mul3A_26 : i32
    %mul3A_28 = arith.constant 3 : i32
    %mul3A_29 = arith.muli %mul3A_27, %mul3A_28 : i32
    "tpu.region"() ({
      %run_scoped3A = tpu.sem_alloc : memref<!tpu.dma_semaphore, #tpu.memory_space<semaphore_mem>>
      %dma_start3A_30 = tpu.memref_slice %arg7[%mul3A_29] : memref<24576xf32, #tpu.memory_space<hbm>> -> memref<768xf32, #tpu.memory_space<hbm>>
      %dma_start3A_31 = tpu.memref_slice %arg7[%mul3A_29] : memref<24576xf32, #tpu.memory_space<hbm>> -> memref<768xf32, #tpu.memory_space<hbm>>
      tpu.enqueue_dma source(%arg13 : memref<768xf32, #tpu.memory_space<vmem>>) target(%dma_start3A_31 : memref<768xf32, #tpu.memory_space<hbm>>) target_semaphore(%run_scoped3A : memref<!tpu.dma_semaphore, #tpu.memory_space<semaphore_mem>>)
      %dma_wait3A_32 = tpu.memref_slice %arg7[%mul3A_29] : memref<24576xf32, #tpu.memory_space<hbm>> -> memref<768xf32, #tpu.memory_space<hbm>>
      %dma_wait3A_33 = tpu.memref_slice %arg7[%mul3A_29] : memref<24576xf32, #tpu.memory_space<hbm>> -> memref<768xf32, #tpu.memory_space<hbm>>
      tpu.wait_dma2 semaphore(%run_scoped3A : memref<!tpu.dma_semaphore, #tpu.memory_space<semaphore_mem>>) src(%arg13 : memref<768xf32, #tpu.memory_space<vmem>>) dst(%dma_wait3A_33 : memref<768xf32, #tpu.memory_space<hbm>>)
      tpu.yield
    }) : () -> ()
    return
  }
}

module attributes {stable_mosaic.version = 14 : i64} {
  func.func @_mlp_body(%arg0: i32, %arg1: memref<7x16384xf32, #tpu.memory_space<vmem>>, %arg2: memref<32x7xf32, #tpu.memory_space<vmem>>, %arg3: memref<32x1xf32, #tpu.memory_space<vmem>>, %arg4: memref<4x32xf32, #tpu.memory_space<vmem>>, %arg5: memref<4x7xf32, #tpu.memory_space<vmem>>, %arg6: memref<4x1xf32, #tpu.memory_space<vmem>>, %arg7: memref<16384xf32, #tpu.memory_space<vmem>>, %arg8: memref<16384xf32, #tpu.memory_space<vmem>>, %arg9: memref<16384xf32, #tpu.memory_space<vmem>>, %arg10: memref<16384xf32, #tpu.memory_space<vmem>>) attributes {dimension_semantics = [#tpu.dimension_semantics<arbitrary>], iteration_bounds = array<i64: 32>, scalar_prefetch = 0 : i64, scratch_operands = 0 : i64, tpu.core_type = #tpu.core_type<tc>, window_params = [{transform_indices = @transform_0, window_bounds = array<i64: 7, 16384>}, {pipeline_mode = #tpu.pipeline_mode<synchronous>, transform_indices = @transform_1, window_bounds = array<i64: 32, 7>}, {pipeline_mode = #tpu.pipeline_mode<synchronous>, transform_indices = @transform_2, window_bounds = array<i64: 32, 1>}, {pipeline_mode = #tpu.pipeline_mode<synchronous>, transform_indices = @transform_3, window_bounds = array<i64: 4, 32>}, {pipeline_mode = #tpu.pipeline_mode<synchronous>, transform_indices = @transform_4, window_bounds = array<i64: 4, 7>}, {pipeline_mode = #tpu.pipeline_mode<synchronous>, transform_indices = @transform_5, window_bounds = array<i64: 4, 1>}, {transform_indices = @transform_6, window_bounds = array<i64: 16384>}, {transform_indices = @transform_7, window_bounds = array<i64: 16384>}, {transform_indices = @transform_8, window_bounds = array<i64: 16384>}, {transform_indices = @transform_9, window_bounds = array<i64: 16384>}]} {
    %get3A = arith.constant 0 : index
    %get3A_0 = arith.constant 0 : index
    %get3A_1 = vector.load %arg1[%get3A, %get3A_0] : memref<7x16384xf32, #tpu.memory_space<vmem>>, vector<7x16384xf32>
    %get3A_2 = arith.constant 0 : index
    %get3A_3 = arith.constant 0 : index
    %get3A_4 = vector.load %arg2[%get3A_2, %get3A_3] : memref<32x7xf32, #tpu.memory_space<vmem>>, vector<32x7xf32>
    %dot_general3A = arith.constant dense<0.000000e+00> : vector<32x16384xf32>
    %dot_general3A_5 = tpu.matmul %get3A_4, %get3A_1, %dot_general3A {dimension_numbers = #tpu.dot_dimension_numbers<[1], [0], [0], [1], [0, 0, 1, 1], [], []>, transpose_lhs_hint = false} : vector<32x7xf32>, vector<7x16384xf32>, vector<32x16384xf32> -> vector<32x16384xf32>
    %get3A_6 = arith.constant 0 : index
    %get3A_7 = arith.constant 0 : index
    %get3A_8 = vector.load %arg3[%get3A_6, %get3A_7] : memref<32x1xf32, #tpu.memory_space<vmem>>, vector<32x1xf32>
    %add3A = vector.broadcast %get3A_8 : vector<32x1xf32> to vector<32x16384xf32>
    %add3A_9 = arith.addf %dot_general3A_5, %add3A : vector<32x16384xf32>
    %max3A = arith.constant 0.000000e+00 : f32
    %max3A_10 = vector.broadcast %max3A : f32 to vector<32x16384xf32>
    %max3A_11 = arith.maximumf %add3A_9, %max3A_10 : vector<32x16384xf32>
    %get3A_12 = arith.constant 0 : index
    %get3A_13 = arith.constant 0 : index
    %get3A_14 = vector.load %arg4[%get3A_12, %get3A_13] : memref<4x32xf32, #tpu.memory_space<vmem>>, vector<4x32xf32>
    %dot_general3A_15 = arith.constant dense<0.000000e+00> : vector<4x16384xf32>
    %dot_general3A_16 = tpu.matmul %get3A_14, %max3A_11, %dot_general3A_15 {dimension_numbers = #tpu.dot_dimension_numbers<[1], [0], [0], [1], [0, 0, 1, 1], [], []>, transpose_lhs_hint = false} : vector<4x32xf32>, vector<32x16384xf32>, vector<4x16384xf32> -> vector<4x16384xf32>
    %get3A_17 = arith.constant 0 : index
    %get3A_18 = arith.constant 0 : index
    %get3A_19 = vector.load %arg5[%get3A_17, %get3A_18] : memref<4x7xf32, #tpu.memory_space<vmem>>, vector<4x7xf32>
    %dot_general3A_20 = arith.constant dense<0.000000e+00> : vector<4x16384xf32>
    %dot_general3A_21 = tpu.matmul %get3A_19, %get3A_1, %dot_general3A_20 {dimension_numbers = #tpu.dot_dimension_numbers<[1], [0], [0], [1], [0, 0, 1, 1], [], []>, transpose_lhs_hint = false} : vector<4x7xf32>, vector<7x16384xf32>, vector<4x16384xf32> -> vector<4x16384xf32>
    %add3A_22 = arith.addf %dot_general3A_16, %dot_general3A_21 : vector<4x16384xf32>
    %get3A_23 = arith.constant 0 : index
    %get3A_24 = arith.constant 0 : index
    %get3A_25 = vector.load %arg6[%get3A_23, %get3A_24] : memref<4x1xf32, #tpu.memory_space<vmem>>, vector<4x1xf32>
    %add3A_26 = vector.broadcast %get3A_25 : vector<4x1xf32> to vector<4x16384xf32>
    %add3A_27 = arith.addf %add3A_22, %add3A_26 : vector<4x16384xf32>
    %slice3A = vector.extract_strided_slice %add3A_27 {offsets = [0, 0], sizes = [1, 16384], strides = [1, 1]} : vector<4x16384xf32> to vector<1x16384xf32>
    %max3A_28 = arith.constant 0.000000e+00 : f32
    %max3A_29 = vector.broadcast %max3A_28 : f32 to vector<1x16384xf32>
    %max3A_30 = arith.maximumf %slice3A, %max3A_29 : vector<1x16384xf32>
    %slice3A_31 = vector.extract_strided_slice %get3A_1 {offsets = [6, 0], sizes = [1, 16384], strides = [1, 1]} : vector<7x16384xf32> to vector<1x16384xf32>
    %neg3A = arith.constant 0.000000e+00 : f32
    %neg3A_32 = vector.broadcast %neg3A : f32 to vector<1x16384xf32>
    %neg3A_33 = arith.subf %neg3A_32, %slice3A_31 : vector<1x16384xf32>
    %mul3A = arith.mulf %max3A_30, %neg3A_33 : vector<1x16384xf32>
    %slice3A_34 = vector.extract_strided_slice %add3A_27 {offsets = [1, 0], sizes = [3, 16384], strides = [1, 1]} : vector<4x16384xf32> to vector<3x16384xf32>
    %logistic3A = arith.negf %slice3A_34 : vector<3x16384xf32>
    %logistic3A_35 = math.exp %logistic3A : vector<3x16384xf32>
    %logistic3A_36 = arith.constant 1.000000e+00 : f32
    %logistic3A_37 = vector.broadcast %logistic3A_36 : f32 to vector<3x16384xf32>
    %logistic3A_38 = arith.addf %logistic3A_37, %logistic3A_35 : vector<3x16384xf32>
    %logistic3A_39 = arith.divf %logistic3A_37, %logistic3A_38 : vector<3x16384xf32>
    %reshape3A = vector.shape_cast %mul3A : vector<1x16384xf32> to vector<16384xf32>
    %swap3A = arith.constant 0 : index
    %swap3A_40 = vector.load %arg7[%swap3A] : memref<16384xf32, #tpu.memory_space<vmem>>, vector<16384xf32>
    tpu.vector_store %arg7[%swap3A], %reshape3A {strides = array<i32>} : memref<16384xf32, #tpu.memory_space<vmem>>, vector<16384xf32>,
    %slice3A_41 = vector.extract_strided_slice %logistic3A_39 {offsets = [0, 0], sizes = [1, 16384], strides = [1, 1]} : vector<3x16384xf32> to vector<1x16384xf32>
    %reshape3A_42 = vector.shape_cast %slice3A_41 : vector<1x16384xf32> to vector<16384xf32>
    %swap3A_43 = arith.constant 0 : index
    %swap3A_44 = vector.load %arg8[%swap3A_43] : memref<16384xf32, #tpu.memory_space<vmem>>, vector<16384xf32>
    tpu.vector_store %arg8[%swap3A_43], %reshape3A_42 {strides = array<i32>} : memref<16384xf32, #tpu.memory_space<vmem>>, vector<16384xf32>,
    %slice3A_45 = vector.extract_strided_slice %logistic3A_39 {offsets = [1, 0], sizes = [1, 16384], strides = [1, 1]} : vector<3x16384xf32> to vector<1x16384xf32>
    %reshape3A_46 = vector.shape_cast %slice3A_45 : vector<1x16384xf32> to vector<16384xf32>
    %swap3A_47 = arith.constant 0 : index
    %swap3A_48 = vector.load %arg9[%swap3A_47] : memref<16384xf32, #tpu.memory_space<vmem>>, vector<16384xf32>
    tpu.vector_store %arg9[%swap3A_47], %reshape3A_46 {strides = array<i32>} : memref<16384xf32, #tpu.memory_space<vmem>>, vector<16384xf32>,
    %slice3A_49 = vector.extract_strided_slice %logistic3A_39 {offsets = [2, 0], sizes = [1, 16384], strides = [1, 1]} : vector<3x16384xf32> to vector<1x16384xf32>
    %reshape3A_50 = vector.shape_cast %slice3A_49 : vector<1x16384xf32> to vector<16384xf32>
    %swap3A_51 = arith.constant 0 : index
    %swap3A_52 = vector.load %arg10[%swap3A_51] : memref<16384xf32, #tpu.memory_space<vmem>>, vector<16384xf32>
    tpu.vector_store %arg10[%swap3A_51], %reshape3A_50 {strides = array<i32>} : memref<16384xf32, #tpu.memory_space<vmem>>, vector<16384xf32>,
    return
  }
  func.func @transform_0(%arg0: i32) -> (i32, i32) {
    %c0_i32 = arith.constant 0 : i32
    %c0_i32_0 = arith.constant 0 : i32
    return %c0_i32, %arg0 : i32, i32
  }
  func.func @transform_1(%arg0: i32) -> (i32, i32) {
    %c0_i32 = arith.constant 0 : i32
    %c0_i32_0 = arith.constant 0 : i32
    %c0_i32_1 = arith.constant 0 : i32
    return %c0_i32, %c0_i32_0 : i32, i32
  }
  func.func @transform_2(%arg0: i32) -> (i32, i32) {
    %c0_i32 = arith.constant 0 : i32
    %c0_i32_0 = arith.constant 0 : i32
    %c0_i32_1 = arith.constant 0 : i32
    return %c0_i32, %c0_i32_0 : i32, i32
  }
  func.func @transform_3(%arg0: i32) -> (i32, i32) {
    %c0_i32 = arith.constant 0 : i32
    %c0_i32_0 = arith.constant 0 : i32
    %c0_i32_1 = arith.constant 0 : i32
    return %c0_i32, %c0_i32_0 : i32, i32
  }
  func.func @transform_4(%arg0: i32) -> (i32, i32) {
    %c0_i32 = arith.constant 0 : i32
    %c0_i32_0 = arith.constant 0 : i32
    %c0_i32_1 = arith.constant 0 : i32
    return %c0_i32, %c0_i32_0 : i32, i32
  }
  func.func @transform_5(%arg0: i32) -> (i32, i32) {
    %c0_i32 = arith.constant 0 : i32
    %c0_i32_0 = arith.constant 0 : i32
    %c0_i32_1 = arith.constant 0 : i32
    return %c0_i32, %c0_i32_0 : i32, i32
  }
  func.func @transform_6(%arg0: i32) -> i32 {
    %c0_i32 = arith.constant 0 : i32
    return %arg0 : i32
  }
  func.func @transform_7(%arg0: i32) -> i32 {
    %c0_i32 = arith.constant 0 : i32
    return %arg0 : i32
  }
  func.func @transform_8(%arg0: i32) -> i32 {
    %c0_i32 = arith.constant 0 : i32
    return %arg0 : i32
  }
  func.func @transform_9(%arg0: i32) -> i32 {
    %c0_i32 = arith.constant 0 : i32
    return %arg0 : i32
  }
}

</mosaic_0001>

<sc_bundles>
// kernel: kernel.4.cloned.1.call-start
scs
__scs_entry_jumppad:
0x0: {  	(pc) =	sbr.rel $0x88, $3  }
0x1: {  	(tag) =	ssettag $0x0;
	lr =	simm.s32 $0x1  }
0x2: {  	[smem:$0x3F99] =	sst lr;
	_ =	strace $0xD0000000  }
0x3: {  	_ = 	snop  }
0x4: {  	_ = 	snop  }
0x5: {  	_ = 	snop  }
0x6: {  	_ = 	snop  }
0x7: {  	_ = 	snop  }
__scs_overlays_trampoline_lowered:
0x8: {  	[smem:$0x3FA8] =	sst s0  }
0x9: {  	[smem:$0x3FA9] =	sst s1  }
0xa: {  	[smem:$0x3FAA] =	sst s2  }
0xb: {  	[smem:$0x3FAB] =	sst s3  }
0xc: {  	[smem:$0x3FAC] =	sst s4  }
0xd: {  	[smem:$0x3FAD] =	sst s5  }
0xe: {  	[smem:$0x3FAE] =	sst s6  }
0xf: {  	[smem:$0x3FAF] =	sst s7  }
0x10: {  	[smem:$0x3FB0] =	sst s8  }
0x11: {  	[smem:$0x3FB1] =	sst s9;
	s0 =	simm.s32 @!p0 $0x0  }
0x12: {  	s1 =	sld [smem:$0x3F97];
	s0 =	simm.s32 @p0 $0x1  }
0x13: {  	[smem:$0x3FB2] =	sst s0;
	s0 =	simm.s32 @!p1 $0x0  }
0x14: {  	s2 =	sld [smem:$0x3F96];
	s0 =	simm.s32 @p1 $0x1  }
0x15: {  	[smem:$0x3FB3] =	sst s0;
	s0 =	simm.s32 @!p2 $0x0  }
0x16: {  	s3 =	sld [smem:$0x3FDB];
	s0 =	simm.s32 @p2 $0x1  }
0x17: {  	s4 =	simm.s32 $0x1BF5;
	[smem:$0x3FB5] =	sst s0  }
0x18: {  	s0 =	sld [smem:$0x3F98];
	_ =	swait.ge [sflag:s4], $0x0  }
0x19: {  	s7 =	sld [smem:$0x3F99]  }
0x1a: {  	s8 =	sadd.s32 $0xFFFFE003, lr  }
0x1b: {  	s9 =	sadd.s32 $0xFFFFFEF7, lr;
	s5 =	simm.s32 $0xFFFFFFFF;
	p2 =	slt.u32 s8, $0xFFFFF086  }
0x1c: {  	p1 =	slt.u32 s9, $0xF7A;
	s5 =	simm.s32 @!p2 $0x0  }
0x1d: {  	s5 =	simm.s32 @p1 $0x1;
	p0 =	seq.s32 s7, s2  }
0x1e: {  	s7 =	smul.u32 @!p0 $0xF7A, s2;
	p2 =	seq.s32 @!p0 s5, $0x0  }
0x1f: {  	s9 =	smul.u32 $0xF7A, s1;
	s8 =	simm.s32 @!p0 $0x1BF5;
	p2 =	por !p2, p0  }
0x20: {  	[sflag:s8] =	ssyncset.s32 @!p0 $0xFFFFF086;
	s6 =	sadd.s32 @!p0 s3, s7;
	s7 =	simm.s32 @!p0 $0x108  }
0x21: {  	s3 =	sadd.s32 s3, s9;
	s6 =	sadd.s32 @!p0 $0x88, s6;
	s7 =	simm.s32 @p2 $0x1082  }
0x22: {  	[simem:s7], [sflag:s8] =	dma.local @!p0 [hbm:s6], $0xF7A  }
0x23: {  	s9 =	sor.u32 $0xD0000000, s2;
	s6 =	simm.s32 $0x108;
	_ =	swait.ge @!p0 [sflag:s8], $0x0  }
0x24: {  	s3 =	sadd.s32 $0x88, s3;
	s6 =	simm.s32 @!p1 $0x1082;
	[sflag:s4] =	ssyncset.s32 $0xFFFFF086  }
0x25: {  	[simem:s6], [sflag:s4] =	dma.local [hbm:s3], $0xF7A  }
0x26: {  	[smem:$0x3F99] =	sst s1;
	(tag) =	ssettag s2;
	_ =	strace s9  }
0x27: {  	s1 =	sld [smem:$0x3FA9]  }
0x28: {  	s2 =	sld [smem:$0x3FAA]  }
0x29: {  	s4 =	sld [smem:$0x3FAC]  }
0x2a: {  	p0 =	seq.s32 s5, $0x0;
	s5 =	sld [smem:$0x3FAD]  }
0x2b: {  	s6 =	sld [smem:$0x3FAE]  }
0x2c: {  	s7 =	sld [smem:$0x3FAF]  }
0x2d: {  	s3 =	simm.s32 $0x108;
	s8 =	sld [smem:$0x3FB0]  }
0x2e: {  	s3 =	simm.s32 @!p0 $0x1082;
	s9 =	sld [smem:$0x3FB1]  }
0x2f: {  	lr =	sadd.s32 s0, s3;
	s0 =	sld [smem:$0x3FA8]  }
0x30: {  	s3 =	sld [smem:$0x3FAB]  }
0x31: {  	[smem:$0x3FB4] =	sst s10  }
0x32: {  	s10 =	sld [smem:$0x3FB2];
	_ =	sdelay $0x3  }
0x33: {  	p0 =	seq.s32 s10, $0x1;
	s10 =	sld [smem:$0x3FB4];
	_ =	sdelay $0x3  }
0x34: {  	[smem:$0x3FB4] =	sst s10  }
0x35: {  	s10 =	sld [smem:$0x3FB3];
	_ =	sdelay $0x3  }
0x36: {  	p1 =	seq.s32 s10, $0x1;
	s10 =	sld [smem:$0x3FB4];
	_ =	sdelay $0x3  }
0x37: {  	[smem:$0x3FB4] =	sst s10  }
0x38: {  	s10 =	sld [smem:$0x3FB5]  }
0x39: {  	_ = 	snop;
	(pc) =	sbr.ind lr, $3  }
0x3a: {  	_ = 	snop  }
0x3b: {  	_ = 	snop  }
0x3c: {  	p2 =	seq.s32 s10, $0x1;
	s10 =	sld [smem:$0x3FB4]  }
0x3d: {  	_ =	shalt  }
0x3e: {  	_ =	shalt  }
0x3f: {  	_ =	shalt  }
0x40: {  	_ =	shalt  }
0x41: {  	_ =	shalt  }
0x42: {  	_ =	shalt  }
0x43: {  	_ =	shalt  }
0x44: {  	_ =	shalt  }
0x45: {  	_ =	shalt  }
0x46: {  	_ =	shalt  }
0x47: {  	_ =	shalt  }
0x48: {  	_ =	shalt  }
0x49: {  	_ =	shalt  }
0x4a: {  	_ =	shalt  }
0x4b: {  	_ =	shalt  }
0x4c: {  	_ =	shalt  }
0x4d: {  	_ =	shalt  }
0x4e: {  	_ =	shalt  }
0x4f: {  	_ =	shalt  }
0x50: {  	_ =	shalt  }
0x51: {  	_ =	shalt  }
0x52: {  	_ =	shalt  }
0x53: {  	_ =	shalt  }
0x54: {  	_ =	shalt  }
0x55: {  	_ =	shalt  }
0x56: {  	_ =	shalt  }
0x57: {  	_ =	shalt  }
0x58: {  	_ =	shalt  }
0x59: {  	_ =	shalt  }
0x5a: {  	_ =	shalt  }
0x5b: {  	_ =	shalt  }
0x5c: {  	_ =	shalt  }
0x5d: {  	_ =	shalt  }
0x5e: {  	_ =	shalt  }
0x5f: {  	_ =	shalt  }
0x60: {  	_ =	shalt  }
0x61: {  	_ =	shalt  }
0x62: {  	_ =	shalt  }
0x63: {  	_ =	shalt  }
0x64: {  	_ =	shalt  }
0x65: {  	_ =	shalt  }
0x66: {  	_ =	shalt  }
0x67: {  	_ =	shalt  }
0x68: {  	_ =	shalt  }
0x69: {  	_ =	shalt  }
0x6a: {  	_ =	shalt  }
0x6b: {  	_ =	shalt  }
0x6c: {  	_ =	shalt  }
0x6d: {  	_ =	shalt  }
0x6e: {  	_ =	shalt  }
0x6f: {  	_ =	shalt  }
0x70: {  	_ =	shalt  }
0x71: {  	_ =	shalt  }
0x72: {  	_ =	shalt  }
0x73: {  	_ =	shalt  }
0x74: {  	_ =	shalt  }
0x75: {  	_ =	shalt  }
0x76: {  	_ =	shalt  }
0x77: {  	_ =	shalt  }
0x78: {  	_ =	shalt  }
0x79: {  	_ =	shalt  }
0x7a: {  	_ =	shalt  }
0x7b: {  	_ =	shalt  }
0x7c: {  	_ =	shalt  }
0x7d: {  	_ =	shalt  }
0x7e: {  	_ =	shalt  }
0x7f: {  	_ =	shalt  }
0x80: {  	_ =	shalt  }
0x81: {  	_ =	shalt  }
0x82: {  	_ =	shalt  }
0x83: {  	_ =	shalt  }
0x84: {  	_ =	shalt  }
0x85: {  	_ =	shalt  }
0x86: {  	_ =	shalt  }
0x87: {  	_ =	shalt  }
.Lfunc_end0:
.L_simem_size_0:
called_computation_lowered:
.L_overlay_start_0:
0x88: {  	s2 =	sld [smem:$0x3FD9]  }
0x89: {  	s3 =	sld [smem:$0x3FFE];
	_ =	sdelay $0x1  }
0x8a: {  	s1 =	srdreg.scid  }
0x8b: {  	s0 =	sand.u32 $0x1, s1  }
0x8c: {  	s17 =	sshll.u32 s0, $0xA;
	s2 =	sadd.s32 s3, s2  }
0x8d: {  	s2 =	sadd.s32 s2, s17  }
0x8e: {  	[smem:$0x3FC0] =	sst s2  }
0x8f: {  	_ = 	snop  }
0x90: {  	s2 =	sld [smem:$0x3FD0];
	(tm) =	ssettm $0x1  }
0x91: {  	s18 =	sld [smem:$0x3FFB];
	_ =	sdelay $0x3  }
0x92: {  	_ =	strace s18  }
0x93: {  	s3 =	sld [smem:$0x3FFC];
	_ =	sdelay $0x3  }
0x94: {  	_ =	strace s3  }
0x95: {  	s3 =	sld [smem:$0x3FFD];
	_ =	sdelay $0x3  }
0x96: {  	_ =	strace s3  }
0x97: {  	_ =	strace $0x8FFFFFFF  }
0x98: {  	s19 =	sld [smem:$0x3FDB];
	_ =	sdelay $0x1  }
0x99: {  	s4 =	simm.s32 $_scs_section_size  }
0x9a: {  	s5 =	simm.s32 $_size__tile_overlayer_lowered;
	s6 =	simm.s32 $_tile_overlayer_lowered  }
0x9b: {  	s22 =	simm.s32 $0x1BFF;
	s21 =	sshll.u32 s6, $0x1;
	s3 =	sadd.s32 s4, s19  }
0x9c: {  	s7 =	simm.s32 $0x0;
	s20 =	sshll.u32 s5, $0x1;
	s5 =	sadd.s32 s21, s3  }
0x9d: {  	[timem:s7], [sflag:s22] =	dma.local [hbm:s5], s20  }
0x9e: {  	_ =	swait.ge [sflag:s22], s20  }
0x9f: {  	s4 =	ssub.s32 $0x0, s20;
	[sflag:s22] =	ssyncset.done $0x0  }
0xa0: {  	[sflag:s22] =	ssyncadd.s32 s4;
	_ =	sdelay $0x1  }
0xa1: {  	s23 =	simm.s32 $0x1B8B  }
0xa2: {  	_ =	swait.ge [sflag:s23], $0x1  }
0xa3: {  	[sflag:s23] =	ssyncset.done $0x0  }
0xa4: {  	s25 =	simm.s32 $0x1B8E;
	s24 =	sld [smem:$0x3FFE];
	[sflag:s23] =	ssyncadd.s32 $0xFFFFFFFF  }
0xa5: {  	s26 =	simm.s32 $execute0_lowered;
	[smem:$0x3FD2] =	sst s25  }
0xa6: {  	s5 =	sshll.u32 s26, $0x1;
	_ =	strace $0x80000046;
	[dreg:$0x1] =	wrdreg $0xFFFFFFFF  }
0xa7: {  	s28 =	simm.s32 $_size_execute0_lowered;
	s3 =	sadd.s32 s3, s5;
	[dreg:$0x0] =	wrdreg $0x0  }
0xa8: {  	s5 =	sshll.u32 s28, $0x1;
	[dreg:$0x2] =	wrdreg s3  }
0xa9: {  	[dreg:$0x3] =	wrdreg s5  }
0xaa: {  	[dreg:$0x4] =	wrdreg $0xC0  }
0xab: {  	_ =	task [dreg:s7], $0x5FFFF  }
0xac: {  	[dreg:$0x1] =	wrdreg $0xFFFFFFFF  }
0xad: {  	[dreg:$0x0] =	wrdreg $0x60  }
0xae: {  	[dreg:$0x2] =	wrdreg s24  }
0xaf: {  	[dreg:$0x3] =	wrdreg s2  }
0xb0: {  	[dreg:$0x4] =	wrdreg $0x9  }
0xb1: {  	_ =	task.clear_ibuf [dreg:s7], $0x5FFFF;
	_ =	strace $0x90000046  }
0xb2: {  	s29 =	simm.s32 $0x9;
	_ =	strace $0x80000048  }
0xb3: {  	_ =	swait.ge [sflag:s29], $0x1  }
0xb4: {  	[sflag:s29] =	ssyncadd.s32 $0xFFFFFFFF  }
0xb5: {  	_ =	strace $0x90000048  }
0xb6: {  	_ =	sfence  }
0xb7: {  	s30 =	sld [smem:$0x0];
	_ =	sdelay $0x2  }
0xb8: {  	s31 =	sshll.u32 s1, $0xD;
	s1 =	sshrl.u32 s1, $0x2  }
0xb9: {  	s3 =	sand.u32 $0x4000, s31;
	s1 =	sadd.s32 s1, s30  }
0xba: {  	s0 =	sor.u32 s3, s0;
	s1 =	sshll.u32 s1, $0x11  }
0xbb: {  	s0 =	sor.u32 s1, s0  }
0xbc: {  	s0 =	sadd.s32 $0x8F2B, s0  }
0xbd: {  	[sflag:s0] =	ssyncadd.remote.s32 $0x1  }
0xbe: {  	_ =	sfence.sel $0xFFFF  }
0xbf: {  	[dreg:$0x0] =	wrdreg $0xFFFFFFFF;
	(pc) =	sbr.abs _section_cstart, $3  }
0xc0: {  	[dreg:$0x1] =	wrdreg $0xFFFFFFFF  }
0xc1: {  	_ =	task.clear_ibuf [dreg:s7], $0x2FFFF;
	_ =	strace $0x9FFFFFFF  }
0xc2: {  	(tm) =	ssettm $0x7FFFFFFF  }
0xc3: {  	_ =	shalt  }
tec
execute0_lowered:
.L_overlay_start_1:
0x0: {  	(tag) =	ssettag $0x1  }
0x1: {  	v1 =	vlaneseq.u32  }
0x2: {  	s3 =	rddreg [dreg:$0x0];
	v33 =	vmul.u32 $0x40, v1  }
0x3: {  	s8 =	rddreg [dreg:$0x1];
	s2 =	simm.s32 $0x0  }
0x4: {  	s1 =	srdreg.scid;
	[smem:$0x7FF] =	sst s2;
	v4 =	vor.u32 $0x1, v33  }
0x5: {  	s4 =	sand.u32 $0x1, s1;
	s1 =	rddreg [dreg:$0x2];
	_ =	strace $0x80000047;
	v5 =	vor.u32 $0x2, v33;
	[tilespmem:$0x1FED0] =	vst v4  }
0x6: {  	v6 =	vor.u32 $0x3, v33;
	[tilespmem:$0x1FEE0] =	vst v5  }
0x7: {  	v8 =	vor.u32 $0x4, v33;
	[tilespmem:$0x1FEF0] =	vst v6  }
0x8: {  	v7 =	vor.u32 $0x5, v33;
	[tilespmem:$0x1FF00] =	vst v8  }
0x9: {  	v16 =	vor.u32 $0x6, v33;
	[tilespmem:$0x1FF10] =	vst v7  }
0xa: {  	v12 =	vor.u32 $0x7, v33;
	[tilespmem:$0x1FF20] =	vst v16  }
0xb: {  	v22 =	vor.u32 $0x8, v33;
	[tilespmem:$0x1FF30] =	vst v12  }
0xc: {  	v43 =	vor.u32 $0x9, v33;
	[tilespmem:$0x1FF40] =	vst v22  }
0xd: {  	v25 =	vor.u32 $0x16, v33;
	[tilespmem:$0x1FF50] =	vst v43  }
0xe: {  	v44 =	vor.u32 $0xA, v33;
	[tilespmem:$0x1FF60] =	vst v25  }
0xf: {  	v23 =	vor.u32 $0xB, v33;
	[tilespmem:$0x1FF70] =	vst v44  }
0x10: {  	v31 =	vor.u32 $0x19, v33;
	[tilespmem:$0x1FF80] =	vst v23  }
0x11: {  	v26 =	vor.u32 $0xE, v33;
	[tilespmem:$0x1FF90] =	vst v31  }
0x12: {  	v29 =	vor.u32 $0x1A, v33;
	[tilespmem:$0x1FFA0] =	vst v26  }
0x13: {  	v27 =	vor.u32 $0xF, v33;
	[tilespmem:$0x1FFB0] =	vst v29  }
0x14: {  	v0 =	vand.u32 $0x1, v1;
	v28 =	vor.u32 $0x18, v33;
	[tilespmem:$0x1FFC0] =	vst v27  }
0x15: {  	v0 =	vmul.u32 $0x40, v0;
	v14 =	vor.u32 $0xD, v33;
	[tilespmem:$0x1FFD0] =	vst v28  }
0x16: {  	v59 =	vor.u32 $0xC, v33;
	v61 =	vor.u32 $0x10, v33;
	v24 =	vor.u32 $0x1B, v33;
	[tilespmem:$0x1FFE0] =	vst v14  }
0x17: {  	v58 =	vor.u32 $0x11, v33;
	v2 =	vor.u32 $0xFFFFFF80, v0;
	v0 =	vor.u32 $0x32, v33;
	[tilespmem:$0x1FFF0] =	vst v24  }
0x18: {  	v30 =	vor.u32 $0x12, v33;
	v53 =	vor.u32 $0x13, v33;
	v32 =	vor.u32 $0x14, v33;
	[tilespmem:$0x1FE00] =	vst v0  }
0x19: {  	v55 =	vor.u32 $0x15, v33;
	v60 =	vor.u32 $0x17, v33;
	v0 =	vor.u32 $0x33, v33;
	[tilespmem:$0x1FEC0] =	vst v2  }
0x1a: {  	v62 =	vor.u32 $0x1C, v33;
	v63 =	vor.u32 $0x1D, v33;
	[tilespmem:$0x1FE10] =	vst v0;
	v0 =	vor.u32 $0x34, v33  }
0x1b: {  	v1 =	vor.u32 $0x1E, v33;
	v34 =	vor.u32 $0x1F, v33;
	[tilespmem:$0x1FE20] =	vst v0;
	v0 =	vor.u32 $0x35, v33  }
0x1c: {  	v35 =	vor.u32 $0x20, v33;
	v36 =	vor.u32 $0x21, v33;
	[tilespmem:$0x1FE30] =	vst v0;
	v0 =	vor.u32 $0x36, v33  }
0x1d: {  	s0 =	stileid.u32;
	s11 =	simm.s32 $0x8000;
	s12 =	simm.s32 $0xC000;
	v37 =	vor.u32 $0x22, v33;
	v38 =	vor.u32 $0x23, v33;
	[tilespmem:$0x1FE40] =	vst v0;
	v0 =	vor.u32 $0x37, v33  }
0x1e: {  	s13 =	simm.s32 $0x10000;
	s14 =	simm.s32 $0x2;
	s5 =	sshll.u32 s0, $0x1;
	v39 =	vor.u32 $0x24, v33;
	v40 =	vor.u32 $0x25, v33;
	[tilespmem:$0x1FE50] =	vst v0;
	v0 =	vor.u32 $0x38, v33  }
0x1f: {  	s15 =	simm.s32 $0x1;
	s16 =	simm.s32 $0x10080;
	s5 =	sor.u32 s4, s5;
	v41 =	vor.u32 $0x26, v33;
	v42 =	vor.u32 $0x27, v33;
	[tilespmem:$0x1FE60] =	vst v0;
	v0 =	vor.u32 $0x39, v33  }
0x20: {  	s17 =	simm.s32 $0x0;
	s4 =	ssub.s32 $0x2, s4;
	s6 =	sshll.u32 s5, $0xB;
	v54 =	vor.u32 $0x28, v33;
	v45 =	vor.u32 $0x29, v33;
	[tilespmem:$0x1FE70] =	vst v0;
	v0 =	vor.u32 $0x3A, v33  }
0x21: {  	v46 =	vor.u32 $0x2A, v33;
	v47 =	vor.u32 $0x2B, v33;
	s31 =	sshrl.u32 s4, $0x1;
	s9 =	smul.u32 $0x60, s5;
	s7 =	sadd.s32 s6, s3;
	[tilespmem:$0x1FE80] =	vst v0;
	v0 =	vor.u32 $0x3B, v33  }
0x22: {  	v48 =	vor.u32 $0x2C, v33;
	v49 =	vor.u32 $0x2D, v33;
	s3 =	sadd.s32 $0xE00, s3;
	s10 =	ssub.s32 s4, s31;
	s4 =	sadd.s32 $0x1000, s7;
	[tilespmem:$0x1FE90] =	vst v0;
	v0 =	vor.u32 $0x3C, v33  }
0x23: {  	v50 =	vor.u32 $0x2E, v33;
	s5 =	sadd.s32 $0x11000, s7;
	s6 =	sadd.s32 $0x21000, s7;
	s7 =	sadd.s32 $0x31000, s7;
	[tilespmem:$0x1FEA0] =	vst v0;
	v0 =	vor.u32 $0x3D, v33  }
0x24: {  	v51 =	vor.u32 $0x2F, v33;
	v52 =	vor.u32 $0x30, v33;
	v56 =	vor.u32 $0x31, v33;
	s8 =	sadd.s32 s8, s9;
	s9 =	smax.u32 s10, $0x1;
	s10 =	simm.s32 $0x4000;
	[tilespmem:$0x1FEB0] =	vst v0  }
.LBB2_1:
0x25: {  	[tilespmem:s2], [sflag:$0x1] =	stream.linear.gather [hbm4b:s4+s2], $0x4000, $0x38;
	[tilespmem:$0x10380] =	vst v63  }
0x26: {  	_ = 	snop  }
0x27: {  	[tilespmem:s10], [sflag:$0x1] =	stream.linear.gather [hbm4b:s5+s2], $0x4000, $0x38;
	[tilespmem:$0x10380] =	vst v63  }
0x28: {  	_ = 	snop  }
0x29: {  	[tilespmem:s11], [sflag:$0x1] =	stream.linear.gather [hbm4b:s6+s2], $0x4000, $0x38;
	[tilespmem:$0x10380] =	vst v63  }
0x2a: {  	_ = 	snop  }
0x2b: {  	[tilespmem:s12], [sflag:$0x1] =	stream.linear.gather [hbm4b:s7+s2], $0x4000, $0x38;
	[tilespmem:$0x10380] =	vst v63  }
0x2c: {  	_ = 	snop  }
0x2d: {  	[tilespmem:s13], [sflag:$0x2] =	stream.linear.gather [hbm4b:s3+s2], $0x80, $0x38;
	[tilespmem:$0x10380] =	vst v63  }
0x2e: {  	_ =	swait.ge [sflag:s14], $0x80  }
0x2f: {  	[sflag:s14] =	ssyncset.done $0x0  }
0x30: {  	[sflag:s14] =	ssyncadd.s32 $0xFFFFFF80  }
0x31: {  	_ =	swait.ge [sflag:s15], $0x4000  }
0x32: {  	[sflag:s15] =	ssyncset.done $0x0  }
0x33: {  	[sflag:s15] =	ssyncadd.s32 $0xFFFFC000  }
0x34: {  	_ =	swait.ge [sflag:s15], $0x4000  }
0x35: {  	[sflag:s15] =	ssyncset.done $0x0  }
0x36: {  	[sflag:s15] =	ssyncadd.s32 $0xFFFFC000  }
0x37: {  	_ =	swait.ge [sflag:s15], $0x4000  }
0x38: {  	[sflag:s15] =	ssyncset.done $0x0  }
0x39: {  	[sflag:s15] =	ssyncadd.s32 $0xFFFFC000  }
0x3a: {  	_ =	swait.ge [sflag:s15], $0x4000  }
0x3b: {  	[sflag:s15] =	ssyncset.done $0x0  }
0x3c: {  	s18 =	simm.s32 $0x0;
	s19 =	simm.s32 $0x0;
	[sflag:s15] =	ssyncadd.s32 $0xFFFFC000  }
.LBB2_2:
0x3d: {  	_ =	sdelay $0x2  }
0x3e: {  	v0 =	vor.u32 s19, v33  }
0x3f: {  	v0 =	vand.u32 v2, v0;
	v2 =	vld [tilespmem:$0x1FED0];
	_ =	sdelay $0x3  }
0x40: {  	v4 =	vld [tilespmem:$0x1FEE0]  }
0x41: {  	v2 =	vor.u32 s19, v2;
	_ =	sdelay $0x2  }
0x42: {  	v3 =	vld.idx.msk [tilespmem:v0+s2+$0x0], $0xffff  }
0x43: {  	v7 =	vld [tilespmem:$0x1FEF0];
	v4 =	vor.u32 s19, v4  }
0x44: {  	v5 =	vld.idx.msk [tilespmem:v2+s2+$0x0], $0xffff;
	_ =	sdelay $0x2  }
0x45: {  	v3 =	vmul.f32 $1.442695020e+00, v3  }
0x46: {  	v7 =	vor.u32 s19, v7;
	v6 =	vld.idx.msk [tilespmem:v4+s2+$0x0], $0xffff  }
0x47: {  	(erf) = vpow2.f32 v3;
	v3 =	vmul.f32 $1.442695020e+00, v5;
	_ =	sdelay $0x1  }
0x48: {  	(erf) = vpow2.f32 v3  }
0x49: {  	v10 =	vld [tilespmem:$0x1FF10]  }
0x4a: {  	v5 =	vor.u32 s19, v8;
	v3 =	vmul.f32 $1.442695020e+00, v6;
	v6 =	vld.idx.msk [tilespmem:v7+s2+$0x0], $0xffff;
	_ =	sdelay $0x1  }
0x4b: {  	v21 =	vld [tilespmem:$0x1FF30];
	(erf) = vpow2.f32 v3  }
0x4c: {  	v13 =	vld.idx.msk [tilespmem:v2+s10+$0x0], $0xffff  }
0x4d: {  	v3 =	vld.idx.msk [tilespmem:v0+s10+$0x0], $0xffff  }
0x4e: {  	v10 =	vor.u32 s19, v10;
	v9 =	vld.idx.msk [tilespmem:v5+s2+$0x0], $0xffff;
	v6 =	vmul.f32 $1.442695020e+00, v6  }
0x4f: {  	v8 =	vld.idx.msk [tilespmem:v0+s11+$0x0], $0xffff;
	v11 =	vpop (erf)  }
0x50: {  	v57 =	vmov v14;
	v0 =	vld.idx.msk [tilespmem:v0+s12+$0x0], $0xffff;
	v14 =	vpop (erf);
	(erf) = vpow2.f32 v6  }
0x51: {  	v15 =	vld.idx.msk [tilespmem:v2+s11+$0x0], $0xffff;
	v12 =	vsub.f32 $1.000000000e+00, v11  }
0x52: {  	v2 =	vld.idx.msk [tilespmem:v2+s12+$0x0], $0xffff;
	v6 =	vor.u32 s19, v16;
	v16 =	vsub.f32 $1.000000000e+00, v14  }
0x53: {  	v17 =	vld.idx.msk [tilespmem:v10+s2+$0x0], $0xffff;
	v3 =	vmul.f32 v12, v3;
	v9 =	vmul.f32 $1.442695020e+00, v9  }
0x54: {  	v21 =	vor.u32 s19, v21;
	v18 =	vpop (erf);
	v16 =	vmul.f32 v16, v11;
	v11 =	vmul.f32 v14, v11;
	v14 =	vld.idx.msk [tilespmem:v4+s11+$0x0], $0xffff  }
0x55: {  	v0 =	vmul.f32 v0, v12;
	(erf) = vpow2.f32 v9;
	v20 =	vsub.f32 $1.000000000e+00, v18  }
0x56: {  	v19 =	vld.idx.msk [tilespmem:v4+s10+$0x0], $0xffff;
	v8 =	vmul.f32 v12, v8;
	v3 =	vadd.f32 $0.0e+00, v3;
	v9 =	vmul.f32 v16, v13  }
0x57: {  	v0 =	vadd.f32 $0.0e+00, v0;
	v4 =	vld.idx.msk [tilespmem:v4+s12+$0x0], $0xffff;
	v20 =	vmul.f32 v20, v11;
	v2 =	vmul.f32 v16, v2  }
0x58: {  	v8 =	vadd.f32 $0.0e+00, v8;
	v13 =	vld.idx.msk [tilespmem:v6+s2+$0x0], $0xffff;
	v3 =	vadd.f32 v9, v3;
	v9 =	vmul.f32 $1.442695020e+00, v17  }
0x59: {  	v15 =	vmul.f32 v16, v15;
	v0 =	vadd.f32 v2, v0;
	v2 =	vmul.f32 v20, v14;
	v14 =	vpop (erf)  }
0x5a: {  	v11 =	vmul.f32 v18, v11;
	v18 =	vld.idx.msk [tilespmem:v7+s11+$0x0], $0xffff;
	(erf) = vpow2.f32 v9;
	v9 =	vsub.f32 $1.000000000e+00, v14  }
0x5b: {  	v8 =	vadd.f32 v15, v8;
	v15 =	vmul.f32 v20, v19;
	v17 =	vld.idx.msk [tilespmem:v7+s10+$0x0], $0xffff  }
0x5c: {  	v12 =	vadd.f32 v16, v12;
	v7 =	vld.idx.msk [tilespmem:v7+s12+$0x0], $0xffff;
	v19 =	vor.u32 s19, v22;
	v4 =	vmul.f32 v20, v4  }
0x5d: {  	v3 =	vadd.f32 v15, v3;
	v15 =	vld.idx.msk [tilespmem:v21+s2+$0x0], $0xffff;
	v13 =	vmul.f32 $1.442695020e+00, v13;
	v2 =	vadd.f32 v2, v8  }
0x5e: {  	v0 =	vadd.f32 v4, v0;
	v4 =	vadd.f32 v20, v12;
	v12 =	vld.idx.msk [tilespmem:v5+s10+$0x0], $0xffff;
	v8 =	vmul.f32 v9, v11;
	v9 =	vpop (erf)  }
0x5f: {  	(erf) = vpow2.f32 v13;
	v11 =	vmul.f32 v14, v11;
	v14 =	vld.idx.msk [tilespmem:v5+s11+$0x0], $0xffff;
	v16 =	vsub.f32 $1.000000000e+00, v9  }
0x60: {  	v13 =	vmul.f32 v8, v17  }
0x61: {  	v20 =	vor.u32 s19, v43;
	v5 =	vld.idx.msk [tilespmem:v5+s12+$0x0], $0xffff;
	v17 =	vmul.f32 v8, v18;
	v7 =	vmul.f32 v8, v7  }
0x62: {  	v18 =	vld.idx.msk [tilespmem:v19+s2+$0x0], $0xffff;
	v15 =	vmul.f32 $1.442695020e+00, v15;
	v3 =	vadd.f32 v13, v3;
	v13 =	vmul.f32 v16, v11  }
0x63: {  	v9 =	vmul.f32 v9, v11;
	v2 =	vadd.f32 v17, v2;
	v0 =	vadd.f32 v7, v0;
	v7 =	vld.idx.msk [tilespmem:v10+s10+$0x0], $0xffff;
	v16 =	vpop (erf)  }
0x64: {  	v17 =	vld.idx.msk [tilespmem:v10+s11+$0x0], $0xffff;
	v12 =	vmul.f32 v13, v12;
	v11 =	vmul.f32 v13, v14;
	v14 =	vsub.f32 $1.000000000e+00, v16  }
0x65: {  	(erf) = vpow2.f32 v15;
	v10 =	vld.idx.msk [tilespmem:v10+s12+$0x0], $0xffff  }
0x66: {  	v4 =	vadd.f32 v8, v4;
	v15 =	vor.u32 s19, v44;
	v3 =	vadd.f32 v12, v3;
	v12 =	vld.idx.msk [tilespmem:v20+s2+$0x0], $0xffff  }
0x67: {  	v8 =	vmul.f32 $1.442695020e+00, v18;
	v18 =	vld.idx.msk [tilespmem:v6+s10+$0x0], $0xffff;
	v2 =	vadd.f32 v11, v2;
	v11 =	vmul.f32 v14, v9  }
0x68: {  	v5 =	vmul.f32 v13, v5;
	v9 =	vmul.f32 v16, v9;
	v16 =	vld.idx.msk [tilespmem:v6+s11+$0x0], $0xffff;
	v14 =	vpop (erf)  }
0x69: {  	(erf) = vpow2.f32 v8;
	v6 =	vld.idx.msk [tilespmem:v6+s12+$0x0], $0xffff;
	v43 =	vmul.f32 v11, v7;
	v22 =	vsub.f32 $1.000000000e+00, v14  }
0x6a: {  	v4 =	vadd.f32 v13, v4;
	v8 =	vmul.f32 v11, v17;
	v44 =	vmul.f32 v11, v10  }
0x6b: {  	v7 =	vld.idx.msk [tilespmem:v15+s2+$0x0], $0xffff;
	v17 =	vor.u32 s19, v23;
	v10 =	vmul.f32 $1.442695020e+00, v12;
	v13 =	vmul.f32 v22, v9  }
0x6c: {  	v2 =	vadd.f32 v8, v2;
	v8 =	vmul.f32 v14, v9  }
0x6d: {  	v0 =	vadd.f32 v5, v0;
	v12 =	vld.idx.msk [tilespmem:v21+s10+$0x0], $0xffff;
	(erf) = vpow2.f32 v10;
	v9 =	vmul.f32 v13, v18  }
0x6e: {  	v3 =	vadd.f32 v43, v3;
	v14 =	vpop (erf);
	v43 =	vmul.f32 v13, v16;
	v16 =	vld.idx.msk [tilespmem:v21+s11+$0x0], $0xffff;
	v6 =	vmul.f32 v13, v6  }
0x6f: {  	v4 =	vadd.f32 v11, v4;
	v10 =	vld.idx.msk [tilespmem:v21+s12+$0x0], $0xffff;
	v18 =	vsub.f32 $1.000000000e+00, v14;
	v21 =	vor.u32 s19, v59  }
0x70: {  	v0 =	vadd.f32 v44, v0;
	v7 =	vmul.f32 $1.442695020e+00, v7;
	v3 =	vadd.f32 v9, v3;
	v9 =	vld.idx.msk [tilespmem:v17+s2+$0x0], $0xffff  }
0x71: {  	v4 =	vadd.f32 v13, v4;
	v44 =	vmul.f32 v18, v8  }
0x72: {  	(erf) = vpow2.f32 v7;
	v0 =	vadd.f32 v6, v0;
	v7 =	vld.idx.msk [tilespmem:v19+s10+$0x0], $0xffff;
	v8 =	vmul.f32 v14, v8;
	v6 =	vpop (erf)  }
0x73: {  	v11 =	vmul.f32 v44, v12;
	v12 =	vld.idx.msk [tilespmem:v19+s11+$0x0], $0xffff;
	v13 =	vsub.f32 $1.000000000e+00, v6;
	v14 =	vmul.f32 v44, v16  }
0x74: {  	v2 =	vadd.f32 v43, v2;
	v18 =	vor.u32 s19, v57;
	v10 =	vmul.f32 v44, v10;
	v16 =	vld.idx.msk [tilespmem:v21+s2+$0x0], $0xffff  }
0x75: {  	v3 =	vadd.f32 v11, v3;
	v11 =	vld.idx.msk [tilespmem:v19+s12+$0x0], $0xffff;
	v13 =	vmul.f32 v13, v8;
	v9 =	vmul.f32 $1.442695020e+00, v9  }
0x76: {  	v0 =	vadd.f32 v10, v0;
	v10 =	vld.idx.msk [tilespmem:v20+s10+$0x0], $0xffff;
	v2 =	vadd.f32 v14, v2  }
0x77: {  	v19 =	vld.idx.msk [tilespmem:v20+s11+$0x0], $0xffff;
	v7 =	vmul.f32 v13, v7;
	v14 =	vpop (erf);
	(erf) = vpow2.f32 v9;
	v9 =	vor.u32 s19, v26  }
0x78: {  	v6 =	vmul.f32 v6, v8;
	v8 =	vmul.f32 v13, v12;
	v12 =	vld.idx.msk [tilespmem:v20+s12+$0x0], $0xffff;
	v20 =	vsub.f32 $1.000000000e+00, v14  }
0x79: {  	v57 =	vmul.f32 $1.442695020e+00, v16;
	v3 =	vadd.f32 v7, v3;
	v7 =	vld.idx.msk [tilespmem:v18+s2+$0x0], $0xffff  }
0x7a: {  	v2 =	vadd.f32 v8, v2;
	v8 =	vmul.f32 v13, v11;
	v11 =	vmul.f32 v20, v6;
	v20 =	vld.idx.msk [tilespmem:v15+s10+$0x0], $0xffff  }
0x7b: {  	v4 =	vadd.f32 v44, v4;
	v16 =	vpop (erf);
	v6 =	vmul.f32 v14, v6;
	v14 =	vld.idx.msk [tilespmem:v15+s11+$0x0], $0xffff  }
0x7c: {  	v22 =	vsub.f32 $1.000000000e+00, v16;
	(erf) = vpow2.f32 v57;
	v0 =	vadd.f32 v8, v0;
	v8 =	vld.idx.msk [tilespmem:v9+s2+$0x0], $0xffff  }
0x7d: {  	v4 =	vadd.f32 v13, v4;
	v43 =	vmul.f32 v11, v10;
	v10 =	vmul.f32 v11, v19  }
0x7e: {  	v13 =	vld.idx.msk [tilespmem:v15+s12+$0x0], $0xffff;
	v15 =	vmul.f32 v22, v6;
	v19 =	vor.u32 s19, v27;
	v44 =	vmul.f32 v11, v12  }
0x7f: {  	v6 =	vmul.f32 v16, v6;
	v7 =	vmul.f32 $1.442695020e+00, v7  }
0x80: {  	v12 =	vld.idx.msk [tilespmem:v17+s10+$0x0], $0xffff;
	v2 =	vadd.f32 v10, v2;
	v10 =	vmul.f32 v15, v20;
	v57 =	vmul.f32 v15, v14  }
0x81: {  	v16 =	vld.idx.msk [tilespmem:v17+s11+$0x0], $0xffff;
	v3 =	vadd.f32 v43, v3;
	v14 =	vpop (erf);
	(erf) = vpow2.f32 v7;
	v8 =	vmul.f32 $1.442695020e+00, v8  }
0x82: {  	v4 =	vadd.f32 v11, v4;
	v20 =	vor.u32 s19, v61;
	v7 =	vld.idx.msk [tilespmem:v17+s12+$0x0], $0xffff;
	v17 =	vsub.f32 $1.000000000e+00, v14  }
0x83: {  	v0 =	vadd.f32 v44, v0;
	v3 =	vadd.f32 v10, v3;
	v10 =	vmul.f32 v15, v13;
	v11 =	vld.idx.msk [tilespmem:v19+s2+$0x0], $0xffff  }
0x84: {  	v4 =	vadd.f32 v15, v4;
	v43 =	vmul.f32 v17, v6  }
0x85: {  	(erf) = vpow2.f32 v8;
	v0 =	vadd.f32 v10, v0;
	v10 =	vld.idx.msk [tilespmem:v21+s10+$0x0], $0xffff;
	v6 =	vmul.f32 v14, v6;
	v8 =	vpop (erf)  }
0x86: {  	v13 =	vld.idx.msk [tilespmem:v21+s11+$0x0], $0xffff;
	v12 =	vmul.f32 v43, v12;
	v15 =	vmul.f32 v43, v16;
	v14 =	vsub.f32 $1.000000000e+00, v8  }
0x87: {  	v2 =	vadd.f32 v57, v2;
	v17 =	vor.u32 s19, v58;
	v7 =	vmul.f32 v43, v7;
	v16 =	vld.idx.msk [tilespmem:v20+s2+$0x0], $0xffff  }
0x88: {  	v11 =	vmul.f32 $1.442695020e+00, v11;
	v3 =	vadd.f32 v12, v3;
	v12 =	vld.idx.msk [tilespmem:v21+s12+$0x0], $0xffff;
	v14 =	vmul.f32 v14, v6  }
0x89: {  	v2 =	vadd.f32 v15, v2;
	v0 =	vadd.f32 v7, v0;
	v7 =	vld.idx.msk [tilespmem:v18+s10+$0x0], $0xffff  }
0x8a: {  	v21 =	vld.idx.msk [tilespmem:v18+s11+$0x0], $0xffff;
	(erf) = vpow2.f32 v11;
	v11 =	vor.u32 s19, v30;
	v15 =	vpop (erf);
	v10 =	vmul.f32 v14, v10  }
0x8b: {  	v6 =	vmul.f32 v8, v6;
	v8 =	vmul.f32 v14, v13;
	v13 =	vld.idx.msk [tilespmem:v18+s12+$0x0], $0xffff;
	v18 =	vsub.f32 $1.000000000e+00, v15  }
0x8c: {  	v44 =	vmul.f32 $1.442695020e+00, v16;
	v3 =	vadd.f32 v10, v3;
	v10 =	vld.idx.msk [tilespmem:v17+s2+$0x0], $0xffff  }
0x8d: {  	v2 =	vadd.f32 v8, v2;
	v8 =	vmul.f32 v14, v12;
	v12 =	vmul.f32 v18, v6;
	v18 =	vld.idx.msk [tilespmem:v9+s10+$0x0], $0xffff  }
0x8e: {  	v4 =	vadd.f32 v43, v4;
	v16 =	vpop (erf);
	v6 =	vmul.f32 v15, v6;
	v15 =	vld.idx.msk [tilespmem:v9+s11+$0x0], $0xffff  }
0x8f: {  	(erf) = vpow2.f32 v44;
	v22 =	vsub.f32 $1.000000000e+00, v16;
	v57 =	vmul.f32 v12, v7;
	v7 =	vld.idx.msk [tilespmem:v11+s2+$0x0], $0xffff  }
0x90: {  	v4 =	vadd.f32 v14, v4;
	v0 =	vadd.f32 v8, v0;
	v8 =	vmul.f32 v12, v21  }
0x91: {  	v9 =	vld.idx.msk [tilespmem:v9+s12+$0x0], $0xffff;
	v21 =	vor.u32 s19, v53;
	v14 =	vmul.f32 v22, v6;
	v43 =	vmul.f32 v12, v13  }
0x92: {  	v6 =	vmul.f32 v16, v6;
	v10 =	vmul.f32 $1.442695020e+00, v10  }
0x93: {  	v13 =	vld.idx.msk [tilespmem:v19+s10+$0x0], $0xffff;
	v2 =	vadd.f32 v8, v2;
	v8 =	vmul.f32 v14, v18;
	v44 =	vmul.f32 v14, v15  }
0x94: {  	v16 =	vld.idx.msk [tilespmem:v19+s11+$0x0], $0xffff;
	v3 =	vadd.f32 v57, v3;
	v15 =	vpop (erf);
	(erf) = vpow2.f32 v10;
	v7 =	vmul.f32 $1.442695020e+00, v7  }
0x95: {  	v4 =	vadd.f32 v12, v4;
	v18 =	vsub.f32 $1.000000000e+00, v15;
	v10 =	vld.idx.msk [tilespmem:v19+s12+$0x0], $0xffff;
	v19 =	vor.u32 s19, v32  }
0x96: {  	v0 =	vadd.f32 v43, v0;
	v3 =	vadd.f32 v8, v3;
	v8 =	vmul.f32 v14, v9;
	v9 =	vld.idx.msk [tilespmem:v21+s2+$0x0], $0xffff  }
0x97: {  	v4 =	vadd.f32 v14, v4;
	v57 =	vmul.f32 v18, v6  }
0x98: {  	v6 =	vmul.f32 v15, v6;
	(erf) = vpow2.f32 v7;
	v0 =	vadd.f32 v8, v0;
	v8 =	vld.idx.msk [tilespmem:v20+s10+$0x0], $0xffff;
	v7 =	vpop (erf)  }
0x99: {  	v12 =	vmul.f32 v57, v13;
	v13 =	vld.idx.msk [tilespmem:v20+s11+$0x0], $0xffff;
	v15 =	vmul.f32 v57, v16;
	v14 =	vsub.f32 $1.000000000e+00, v7  }
0x9a: {  	v2 =	vadd.f32 v44, v2;
	v18 =	vor.u32 s19, v55;
	v10 =	vmul.f32 v57, v10;
	v16 =	vld.idx.msk [tilespmem:v19+s2+$0x0], $0xffff  }
0x9b: {  	v3 =	vadd.f32 v12, v3;
	v12 =	vld.idx.msk [tilespmem:v20+s12+$0x0], $0xffff;
	v9 =	vmul.f32 $1.442695020e+00, v9;
	v14 =	vmul.f32 v14, v6  }
0x9c: {  	v2 =	vadd.f32 v15, v2;
	v20 =	vld.idx.msk [tilespmem:v17+s11+$0x0], $0xffff;
	v0 =	vadd.f32 v10, v0  }
0x9d: {  	v10 =	vld.idx.msk [tilespmem:v17+s10+$0x0], $0xffff;
	(erf) = vpow2.f32 v9;
	v9 =	vor.u32 s19, v25;
	v8 =	vmul.f32 v14, v8;
	v15 =	vpop (erf)  }
0x9e: {  	v6 =	vmul.f32 v7, v6;
	v7 =	vmul.f32 v14, v13;
	v13 =	vld.idx.msk [tilespmem:v17+s12+$0x0], $0xffff;
	v17 =	vsub.f32 $1.000000000e+00, v15  }
0x9f: {  	v43 =	vmul.f32 $1.442695020e+00, v16;
	v3 =	vadd.f32 v8, v3;
	v8 =	vld.idx.msk [tilespmem:v18+s2+$0x0], $0xffff  }
0xa0: {  	v2 =	vadd.f32 v7, v2;
	v7 =	vmul.f32 v14, v12;
	v12 =	vmul.f32 v17, v6;
	v17 =	vld.idx.msk [tilespmem:v11+s10+$0x0], $0xffff  }
0xa1: {  	v4 =	vadd.f32 v57, v4;
	v16 =	vpop (erf);
	v6 =	vmul.f32 v15, v6;
	v15 =	vld.idx.msk [tilespmem:v11+s11+$0x0], $0xffff  }
0xa2: {  	v22 =	vsub.f32 $1.000000000e+00, v16;
	(erf) = vpow2.f32 v43;
	v0 =	vadd.f32 v7, v0;
	v7 =	vld.idx.msk [tilespmem:v9+s2+$0x0], $0xffff  }
0xa3: {  	v4 =	vadd.f32 v14, v4;
	v44 =	vmul.f32 v12, v10;
	v10 =	vmul.f32 v12, v20  }
0xa4: {  	v11 =	vld.idx.msk [tilespmem:v11+s12+$0x0], $0xffff;
	v14 =	vmul.f32 v22, v6;
	v20 =	vor.u32 s19, v60;
	v57 =	vmul.f32 v12, v13  }
0xa5: {  	v6 =	vmul.f32 v16, v6;
	v8 =	vmul.f32 $1.442695020e+00, v8  }
0xa6: {  	v13 =	vld.idx.msk [tilespmem:v21+s10+$0x0], $0xffff;
	v2 =	vadd.f32 v10, v2;
	v10 =	vmul.f32 v14, v17;
	v43 =	vmul.f32 v14, v15  }
0xa7: {  	v16 =	vld.idx.msk [tilespmem:v21+s11+$0x0], $0xffff;
	v3 =	vadd.f32 v44, v3;
	v15 =	vpop (erf);
	(erf) = vpow2.f32 v8;
	v7 =	vmul.f32 $1.442695020e+00, v7  }
0xa8: {  	v4 =	vadd.f32 v12, v4;
	v8 =	vld.idx.msk [tilespmem:v21+s12+$0x0], $0xffff;
	v17 =	vsub.f32 $1.000000000e+00, v15;
	v21 =	vor.u32 s19, v28  }
0xa9: {  	v0 =	vadd.f32 v57, v0;
	v3 =	vadd.f32 v10, v3;
	v10 =	vmul.f32 v14, v11;
	v11 =	vld.idx.msk [tilespmem:v20+s2+$0x0], $0xffff  }
0xaa: {  	v4 =	vadd.f32 v14, v4;
	v44 =	vmul.f32 v17, v6;
	(erf) = vpow2.f32 v7  }
0xab: {  	v2 =	vadd.f32 v43, v2;
	v6 =	vmul.f32 v15, v6;
	v0 =	vadd.f32 v10, v0;
	v10 =	vld.idx.msk [tilespmem:v19+s10+$0x0], $0xffff;
	v7 =	vpop (erf)  }
0xac: {  	v12 =	vmul.f32 v44, v13;
	v13 =	vld.idx.msk [tilespmem:v19+s11+$0x0], $0xffff;
	v15 =	vmul.f32 v44, v16;
	v14 =	vsub.f32 $1.000000000e+00, v7  }
0xad: {  	v17 =	vor.u32 s19, v31;
	v4 =	vadd.f32 v44, v4;
	v8 =	vmul.f32 v44, v8;
	v16 =	vld.idx.msk [tilespmem:v21+s2+$0x0], $0xffff  }
0xae: {  	v3 =	vadd.f32 v12, v3;
	v12 =	vld.idx.msk [tilespmem:v19+s12+$0x0], $0xffff;
	v11 =	vmul.f32 $1.442695020e+00, v11;
	v14 =	vmul.f32 v14, v6  }
0xaf: {  	v2 =	vadd.f32 v15, v2;
	v19 =	vld.idx.msk [tilespmem:v18+s11+$0x0], $0xffff;
	v0 =	vadd.f32 v8, v0  }
0xb0: {  	v8 =	vld.idx.msk [tilespmem:v18+s10+$0x0], $0xffff;
	(erf) = vpow2.f32 v11;
	v11 =	vor.u32 s19, v29;
	v10 =	vmul.f32 v14, v10;
	v15 =	vpop (erf)  }
0xb1: {  	v6 =	vmul.f32 v7, v6;
	v7 =	vmul.f32 v14, v13;
	v13 =	vld.idx.msk [tilespmem:v18+s12+$0x0], $0xffff;
	v18 =	vsub.f32 $1.000000000e+00, v15  }
0xb2: {  	v4 =	vadd.f32 v14, v4;
	v57 =	vmul.f32 $1.442695020e+00, v16;
	v3 =	vadd.f32 v10, v3;
	v10 =	vld.idx.msk [tilespmem:v17+s2+$0x0], $0xffff  }
0xb3: {  	v2 =	vadd.f32 v7, v2;
	v7 =	vmul.f32 v14, v12;
	v16 =	vpop (erf);
	v12 =	vmul.f32 v18, v6;
	v18 =	vld.idx.msk [tilespmem:v9+s10+$0x0], $0xffff  }
0xb4: {  	v6 =	vmul.f32 v15, v6;
	v15 =	vld.idx.msk [tilespmem:v9+s11+$0x0], $0xffff;
	v22 =	vsub.f32 $1.000000000e+00, v16;
	(erf) = vpow2.f32 v57  }
0xb5: {  	v0 =	vadd.f32 v7, v0;
	v7 =	vld.idx.msk [tilespmem:v11+s2+$0x0], $0xffff;
	v43 =	vmul.f32 v12, v8;
	v8 =	vmul.f32 v12, v19  }
0xb6: {  	v9 =	vld.idx.msk [tilespmem:v9+s12+$0x0], $0xffff;
	v14 =	vmul.f32 v22, v6;
	v19 =	vor.u32 s19, v24;
	v44 =	vmul.f32 v12, v13  }
0xb7: {  	v6 =	vmul.f32 v16, v6;
	v10 =	vmul.f32 $1.442695020e+00, v10  }
0xb8: {  	v13 =	vld.idx.msk [tilespmem:v20+s10+$0x0], $0xffff;
	v4 =	vadd.f32 v12, v4;
	v2 =	vadd.f32 v8, v2;
	v8 =	vmul.f32 v14, v18  }
0xb9: {  	v16 =	vld.idx.msk [tilespmem:v20+s11+$0x0], $0xffff;
	v3 =	vadd.f32 v43, v3;
	v57 =	vmul.f32 v14, v15;
	v15 =	vpop (erf);
	(erf) = vpow2.f32 v10  }
0xba: {  	v10 =	vld.idx.msk [tilespmem:v20+s12+$0x0], $0xffff;
	v18 =	vsub.f32 $1.000000000e+00, v15;
	v7 =	vmul.f32 $1.442695020e+00, v7;
	v20 =	vor.u32 s19, v62  }
0xbb: {  	v0 =	vadd.f32 v44, v0;
	v3 =	vadd.f32 v8, v3;
	v8 =	vmul.f32 v14, v9;
	v9 =	vld.idx.msk [tilespmem:v19+s2+$0x0], $0xffff  }
0xbc: {  	v43 =	vmul.f32 v18, v6  }
0xbd: {  	v4 =	vadd.f32 v14, v4;
	(erf) = vpow2.f32 v7;
	v0 =	vadd.f32 v8, v0;
	v8 =	vld.idx.msk [tilespmem:v21+s10+$0x0], $0xffff  }
0xbe: {  	v2 =	vadd.f32 v57, v2;
	v6 =	vmul.f32 v15, v6;
	v7 =	vpop (erf);
	v12 =	vmul.f32 v43, v13;
	v13 =	vld.idx.msk [tilespmem:v21+s11+$0x0], $0xffff  }
0xbf: {  	v18 =	vor.u32 s19, v63;
	v15 =	vmul.f32 v43, v16;
	v14 =	vsub.f32 $1.000000000e+00, v7;
	v16 =	vld.idx.msk [tilespmem:v20+s2+$0x0], $0xffff  }
0xc0: {  	v10 =	vmul.f32 v43, v10;
	v3 =	vadd.f32 v12, v3;
	v12 =	vld.idx.msk [tilespmem:v21+s12+$0x0], $0xffff;
	v9 =	vmul.f32 $1.442695020e+00, v9  }
0xc1: {  	v2 =	vadd.f32 v15, v2;
	v14 =	vmul.f32 v14, v6  }
0xc2: {  	v21 =	vld.idx.msk [tilespmem:v17+s11+$0x0], $0xffff;
	v0 =	vadd.f32 v10, v0;
	v6 =	vmul.f32 v7, v6;
	(erf) = vpow2.f32 v9  }
0xc3: {  	v10 =	vld.idx.msk [tilespmem:v17+s10+$0x0], $0xffff;
	v9 =	vor.u32 s19, v1;
	v8 =	vmul.f32 v14, v8;
	v15 =	vpop (erf);
	v7 =	vmul.f32 v14, v13  }
0xc4: {  	v4 =	vadd.f32 v43, v4;
	v13 =	vld.idx.msk [tilespmem:v17+s12+$0x0], $0xffff;
	v17 =	vsub.f32 $1.000000000e+00, v15;
	v44 =	vmul.f32 $1.442695020e+00, v16  }
0xc5: {  	v3 =	vadd.f32 v8, v3;
	v8 =	vld.idx.msk [tilespmem:v18+s2+$0x0], $0xffff;
	v2 =	vadd.f32 v7, v2;
	v7 =	vmul.f32 v14, v12  }
0xc6: {  	v4 =	vadd.f32 v14, v4;
	v16 =	vpop (erf);
	v12 =	vmul.f32 v17, v6;
	v6 =	vmul.f32 v15, v6;
	v15 =	vld.idx.msk [tilespmem:v11+s11+$0x0], $0xffff  }
0xc7: {  	v17 =	vld.idx.msk [tilespmem:v11+s10+$0x0], $0xffff;
	v22 =	vsub.f32 $1.000000000e+00, v16;
	(erf) = vpow2.f32 v44;
	v0 =	vadd.f32 v7, v0  }
0xc8: {  	v7 =	vld.idx.msk [tilespmem:v9+s2+$0x0], $0xffff;
	v57 =	vmul.f32 v12, v10;
	v10 =	vor.u32 s19, v34;
	v14 =	vmul.f32 v12, v21  }
0xc9: {  	v11 =	vld.idx.msk [tilespmem:v11+s12+$0x0], $0xffff;
	v21 =	vmul.f32 v22, v6;
	v43 =	vmul.f32 v12, v13  }
0xca: {  	v13 =	vld.idx.msk [tilespmem:v19+s10+$0x0], $0xffff;
	v6 =	vmul.f32 v16, v6;
	v8 =	vmul.f32 $1.442695020e+00, v8  }
0xcb: {  	v16 =	vld.idx.msk [tilespmem:v19+s11+$0x0], $0xffff;
	v3 =	vadd.f32 v57, v3;
	v2 =	vadd.f32 v14, v2;
	v44 =	vmul.f32 v21, v15;
	v15 =	vpop (erf)  }
0xcc: {  	v14 =	vmul.f32 v21, v17;
	v17 =	vld.idx.msk [tilespmem:v19+s12+$0x0], $0xffff;
	(erf) = vpow2.f32 v8;
	v8 =	vsub.f32 $1.000000000e+00, v15  }
0xcd: {  	v22 =	vor.u32 s19, v35;
	v7 =	vmul.f32 $1.442695020e+00, v7;
	v19 =	vld.idx.msk [tilespmem:v10+s2+$0x0], $0xffff  }
0xce: {  	v4 =	vadd.f32 v12, v4;
	v3 =	vadd.f32 v14, v3;
	v57 =	vmul.f32 v8, v6  }
0xcf: {  	v14 =	vor.u32 s19, v36;
	v8 =	vld.idx.msk [tilespmem:v20+s10+$0x0], $0xffff;
	(erf) = vpow2.f32 v7;
	v7 =	vmul.f32 v21, v11  }
0xd0: {  	v0 =	vadd.f32 v43, v0;
	v6 =	vmul.f32 v15, v6;
	v11 =	vpop (erf);
	v15 =	vmul.f32 v57, v16;
	v16 =	vld.idx.msk [tilespmem:v20+s12+$0x0], $0xffff  }
0xd1: {  	v12 =	vld.idx.msk [tilespmem:v20+s11+$0x0], $0xffff;
	v2 =	vadd.f32 v44, v2;
	v13 =	vmul.f32 v57, v13;
	v20 =	vsub.f32 $1.000000000e+00, v11  }
0xd2: {  	v0 =	vadd.f32 v7, v0;
	v7 =	vmul.f32 v57, v17;
	v17 =	vmul.f32 $1.442695020e+00, v19  }
0xd3: {  	v4 =	vadd.f32 v21, v4;
	v19 =	vld.idx.msk [tilespmem:v22+s2+$0x0], $0xffff;
	v3 =	vadd.f32 v13, v3;
	v13 =	vmul.f32 v20, v6  }
0xd4: {  	v2 =	vadd.f32 v15, v2;
	v6 =	vmul.f32 v11, v6;
	v15 =	vld.idx.msk [tilespmem:v14+s2+$0x0], $0xffff;
	(erf) = vpow2.f32 v17  }
0xd5: {  	v0 =	vadd.f32 v7, v0;
	v7 =	vld.idx.msk [tilespmem:v18+s11+$0x0], $0xffff;
	v8 =	vmul.f32 v13, v8;
	v11 =	vpop (erf);
	v16 =	vmul.f32 v13, v16  }
0xd6: {  	v20 =	vld.idx.msk [tilespmem:v18+s10+$0x0], $0xffff;
	v17 =	vor.u32 s19, v37;
	v12 =	vmul.f32 v13, v12;
	v21 =	vsub.f32 $1.000000000e+00, v11  }
0xd7: {  	v43 =	vld.idx.msk [tilespmem:v9+s10+$0x0], $0xffff;
	v4 =	vadd.f32 v57, v4;
	v3 =	vadd.f32 v8, v3  }
0xd8: {  	v18 =	vld.idx.msk [tilespmem:v18+s12+$0x0], $0xffff;
	v2 =	vadd.f32 v12, v2;
	v8 =	vmul.f32 $1.442695020e+00, v19;
	v12 =	vmul.f32 v21, v6  }
0xd9: {  	v0 =	vadd.f32 v16, v0;
	v19 =	vld.idx.msk [tilespmem:v9+s11+$0x0], $0xffff;
	v15 =	vmul.f32 $1.442695020e+00, v15;
	v6 =	vmul.f32 v11, v6;
	v16 =	vpop (erf)  }
0xda: {  	v9 =	vld.idx.msk [tilespmem:v9+s12+$0x0], $0xffff;
	(erf) = vpow2.f32 v8;
	v11 =	vsub.f32 $1.000000000e+00, v16;
	v7 =	vmul.f32 v12, v7  }
0xdb: {  	v4 =	vadd.f32 v13, v4;
	v21 =	vor.u32 s19, v38;
	v8 =	vmul.f32 v12, v20;
	v20 =	vld.idx.msk [tilespmem:v17+s2+$0x0], $0xffff  }
0xdc: {  	(erf) = vpow2.f32 v15;
	v11 =	vmul.f32 v11, v6  }
0xdd: {  	v13 =	vld.idx.msk [tilespmem:v10+s10+$0x0], $0xffff;
	v4 =	vadd.f32 v12, v4;
	v3 =	vadd.f32 v8, v3;
	v8 =	vmul.f32 v12, v18  }
0xde: {  	v15 =	vld.idx.msk [tilespmem:v10+s11+$0x0], $0xffff;
	v2 =	vadd.f32 v7, v2;
	v6 =	vmul.f32 v16, v6;
	v5 =	vmul.f32 v11, v43;
	v7 =	vpop (erf)  }
0xdf: {  	v10 =	vld.idx.msk [tilespmem:v10+s12+$0x0], $0xffff;
	v16 =	vmul.f32 v11, v19;
	v19 =	vor.u32 s19, v39;
	v18 =	vsub.f32 $1.000000000e+00, v7  }
0xe0: {  	v0 =	vadd.f32 v8, v0;
	v8 =	vmul.f32 v11, v9;
	v9 =	vmul.f32 $1.442695020e+00, v20;
	v20 =	vld.idx.msk [tilespmem:v21+s2+$0x0], $0xffff  }
0xe1: {  	v4 =	vadd.f32 v11, v4;
	v44 =	vmul.f32 v18, v6  }
0xe2: {  	v12 =	vld.idx.msk [tilespmem:v22+s10+$0x0], $0xffff;
	v3 =	vadd.f32 v5, v3;
	v2 =	vadd.f32 v16, v2;
	(erf) = vpow2.f32 v9  }
0xe3: {  	v0 =	vadd.f32 v8, v0;
	v8 =	vld.idx.msk [tilespmem:v22+s11+$0x0], $0xffff;
	v16 =	vor.u32 s19, v40;
	v11 =	vpop (erf);
	v9 =	vmul.f32 v44, v13  }
0xe4: {  	v6 =	vmul.f32 v7, v6;
	v7 =	vmul.f32 v44, v15;
	v15 =	vsub.f32 $1.000000000e+00, v11;
	v18 =	vld.idx.msk [tilespmem:v19+s2+$0x0], $0xffff  }
0xe5: {  	v13 =	vld.idx.msk [tilespmem:v22+s12+$0x0], $0xffff;
	v20 =	vmul.f32 $1.442695020e+00, v20;
	v3 =	vadd.f32 v9, v3;
	v9 =	vmul.f32 v44, v10  }
0xe6: {  	v10 =	vld.idx.msk [tilespmem:v14+s10+$0x0], $0xffff;
	v2 =	vadd.f32 v7, v2;
	v7 =	vmul.f32 v15, v6;
	v6 =	vmul.f32 v11, v6;
	v11 =	vpop (erf)  }
0xe7: {  	v15 =	vld.idx.msk [tilespmem:v14+s11+$0x0], $0xffff;
	v22 =	vsub.f32 $1.000000000e+00, v11;
	(erf) = vpow2.f32 v20;
	v20 =	vor.u32 s19, v41  }
0xe8: {  	v14 =	vld.idx.msk [tilespmem:v14+s12+$0x0], $0xffff;
	v0 =	vadd.f32 v9, v0;
	v9 =	vmul.f32 v7, v12;
	v8 =	vmul.f32 v7, v8  }
0xe9: {  	v12 =	vld.idx.msk [tilespmem:v16+s2+$0x0], $0xffff;
	v57 =	vmul.f32 v22, v6;
	v18 =	vmul.f32 $1.442695020e+00, v18  }
0xea: {  	v6 =	vmul.f32 v11, v6;
	v3 =	vadd.f32 v9, v3;
	v9 =	vmul.f32 v7, v13  }
0xeb: {  	v11 =	vld.idx.msk [tilespmem:v17+s10+$0x0], $0xffff;
	v2 =	vadd.f32 v8, v2;
	v8 =	vmul.f32 v57, v10;
	v10 =	vpop (erf);
	(erf) = vpow2.f32 v18  }
0xec: {  	v4 =	vadd.f32 v44, v4;
	v13 =	vld.idx.msk [tilespmem:v17+s11+$0x0], $0xffff;
	v18 =	vsub.f32 $1.000000000e+00, v10  }
0xed: {  	v23 =	vor.u32 s19, v42;
	v22 =	vld.idx.msk [tilespmem:v20+s2+$0x0], $0xffff;
	v0 =	vadd.f32 v9, v0;
	v9 =	vmul.f32 v57, v14  }
0xee: {  	v4 =	vadd.f32 v7, v4;
	v14 =	vld.idx.msk [tilespmem:v17+s12+$0x0], $0xffff;
	v12 =	vmul.f32 $1.442695020e+00, v12;
	v7 =	vmul.f32 v18, v6  }
0xef: {  	v15 =	vmul.f32 v57, v15;
	v3 =	vadd.f32 v8, v3;
	v8 =	vld.idx.msk [tilespmem:v21+s10+$0x0], $0xffff;
	v6 =	vmul.f32 v10, v6  }
0xf0: {  	v0 =	vadd.f32 v9, v0;
	v9 =	vld.idx.msk [tilespmem:v21+s11+$0x0], $0xffff;
	(erf) = vpow2.f32 v12;
	v10 =	vmul.f32 v7, v11;
	v11 =	vpop (erf)  }
0xf1: {  	v2 =	vadd.f32 v15, v2;
	v15 =	vor.u32 s19, v54;
	v12 =	vld.idx.msk [tilespmem:v21+s12+$0x0], $0xffff;
	v17 =	vsub.f32 $1.000000000e+00, v11  }
0xf2: {  	v4 =	vadd.f32 v57, v4;
	v21 =	vld.idx.msk [tilespmem:v23+s2+$0x0], $0xffff;
	v13 =	vmul.f32 v7, v13;
	v18 =	vmul.f32 $1.442695020e+00, v22  }
0xf3: {  	v43 =	vmul.f32 v7, v14;
	v3 =	vadd.f32 v10, v3;
	v10 =	vmul.f32 v17, v6  }
0xf4: {  	v44 =	vmul.f32 v11, v6;
	v11 =	vld.idx.msk [tilespmem:v19+s11+$0x0], $0xffff;
	v14 =	vor.u32 s19, v45;
	v2 =	vadd.f32 v13, v2;
	v6 =	vpop (erf)  }
0xf5: {  	v13 =	vld.idx.msk [tilespmem:v19+s10+$0x0], $0xffff;
	(erf) = vpow2.f32 v18;
	v8 =	vmul.f32 v10, v8;
	v17 =	vsub.f32 $1.000000000e+00, v6  }
0xf6: {  	v4 =	vadd.f32 v7, v4;
	v18 =	vld.idx.msk [tilespmem:v15+s2+$0x0], $0xffff;
	v9 =	vmul.f32 v10, v9;
	v7 =	vmul.f32 v10, v12  }
0xf7: {  	v12 =	vld.idx.msk [tilespmem:v19+s12+$0x0], $0xffff;
	v19 =	vmul.f32 $1.442695020e+00, v21;
	v3 =	vadd.f32 v8, v3;
	v8 =	vmul.f32 v17, v44  }
0xf8: {  	v0 =	vadd.f32 v43, v0;
	v5 =	vmul.f32 v6, v44;
	v2 =	vadd.f32 v9, v2;
	v9 =	vld.idx.msk [tilespmem:v16+s10+$0x0], $0xffff  }
0xf9: {  	v4 =	vadd.f32 v10, v4;
	(erf) = vpow2.f32 v19;
	v6 =	vpop (erf);
	v10 =	vmul.f32 v8, v11;
	v11 =	vld.idx.msk [tilespmem:v16+s12+$0x0], $0xffff  }
0xfa: {  	v21 =	vor.u32 s19, v46;
	v19 =	vld.idx.msk [tilespmem:v14+s2+$0x0], $0xffff;
	v13 =	vmul.f32 v8, v13;
	v17 =	vsub.f32 $1.000000000e+00, v6  }
0xfb: {  	v0 =	vadd.f32 v7, v0;
	v7 =	vld.idx.msk [tilespmem:v16+s11+$0x0], $0xffff;
	v16 =	vmul.f32 $1.442695020e+00, v18;
	v4 =	vadd.f32 v8, v4  }
0xfc: {  	v12 =	vmul.f32 v8, v12;
	v3 =	vadd.f32 v13, v3;
	v13 =	vmul.f32 v17, v5;
	v17 =	vld.idx.msk [tilespmem:v20+s10+$0x0], $0xffff  }
0xfd: {  	v2 =	vadd.f32 v10, v2;
	v5 =	vmul.f32 v6, v5;
	v10 =	vld.idx.msk [tilespmem:v20+s11+$0x0], $0xffff;
	(erf) = vpow2.f32 v16  }
0xfe: {  	v16 =	vld.idx.msk [tilespmem:v20+s12+$0x0], $0xffff;
	v20 =	vor.u32 s19, v47;
	v6 =	vpop (erf);
	v0 =	vadd.f32 v12, v0;
	v8 =	vmul.f32 v13, v11  }
0xff: {  	v12 =	vmul.f32 $1.442695020e+00, v19;
	v19 =	vld.idx.msk [tilespmem:v21+s2+$0x0], $0xffff;
	v9 =	vmul.f32 v13, v9;
	v18 =	vsub.f32 $1.000000000e+00, v6  }
0x100: {  	v7 =	vmul.f32 v13, v7;
	v4 =	vadd.f32 v13, v4  }
0x101: {  	(erf) = vpow2.f32 v12;
	v11 =	vmul.f32 v18, v5;
	v3 =	vadd.f32 v9, v3  }
0x102: {  	v2 =	vadd.f32 v7, v2;
	v5 =	vmul.f32 v6, v5;
	v9 =	vld.idx.msk [tilespmem:v23+s11+$0x0], $0xffff;
	v0 =	vadd.f32 v8, v0;
	v8 =	vpop (erf)  }
0x103: {  	v7 =	vld.idx.msk [tilespmem:v23+s10+$0x0], $0xffff;
	v6 =	vmul.f32 v11, v17;
	v10 =	vmul.f32 v11, v10;
	v12 =	vsub.f32 $1.000000000e+00, v8  }
0x104: {  	v18 =	vor.u32 s19, v48;
	v17 =	vld.idx.msk [tilespmem:v20+s2+$0x0], $0xffff;
	v13 =	vmul.f32 v11, v16;
	v19 =	vmul.f32 $1.442695020e+00, v19  }
0x105: {  	v16 =	vld.idx.msk [tilespmem:v23+s12+$0x0], $0xffff;
	v4 =	vadd.f32 v11, v4;
	v3 =	vadd.f32 v6, v3;
	v6 =	vmul.f32 v12, v5  }
0x106: {  	v2 =	vadd.f32 v10, v2;
	v10 =	vld.idx.msk [tilespmem:v15+s10+$0x0], $0xffff;
	v0 =	vadd.f32 v13, v0  }
0x107: {  	v13 =	vld.idx.msk [tilespmem:v15+s11+$0x0], $0xffff;
	v12 =	vpop (erf);
	(erf) = vpow2.f32 v19;
	v19 =	vor.u32 s19, v49;
	v9 =	vmul.f32 v6, v9  }
0x108: {  	v5 =	vmul.f32 v8, v5;
	v8 =	vld.idx.msk [tilespmem:v15+s12+$0x0], $0xffff;
	v7 =	vmul.f32 v6, v7;
	v15 =	vsub.f32 $1.000000000e+00, v12  }
0x109: {  	v23 =	vor.u32 s19, v50;
	v11 =	vmul.f32 $1.442695020e+00, v17;
	v17 =	vld.idx.msk [tilespmem:v18+s2+$0x0], $0xffff;
	v4 =	vadd.f32 v6, v4  }
0x10a: {  	v3 =	vadd.f32 v7, v3;
	v7 =	vmul.f32 v6, v16;
	v16 =	vld.idx.msk [tilespmem:v14+s10+$0x0], $0xffff;
	v15 =	vmul.f32 v15, v5  }
0x10b: {  	v2 =	vadd.f32 v9, v2;
	v5 =	vmul.f32 v12, v5;
	v12 =	vld.idx.msk [tilespmem:v14+s11+$0x0], $0xffff;
	v9 =	vpop (erf);
	(erf) = vpow2.f32 v11  }
0x10c: {  	v0 =	vadd.f32 v7, v0;
	v10 =	vmul.f32 v15, v10;
	v11 =	vsub.f32 $1.000000000e+00, v9;
	v22 =	vld.idx.msk [tilespmem:v19+s2+$0x0], $0xffff  }
0x10d: {  	v7 =	vmul.f32 v15, v13;
	v8 =	vmul.f32 v15, v8;
	v13 =	vld.idx.msk [tilespmem:v14+s12+$0x0], $0xffff;
	v4 =	vadd.f32 v15, v4  }
0x10e: {  	v31 =	vmovc v1;
	v1 =	vld [tilespmem:$0x1FE00];
	v6 =	vmul.f32 v11, v5;
	v11 =	vmul.f32 $1.442695020e+00, v17;
	v3 =	vadd.f32 v10, v3  }
0x10f: {  	v2 =	vadd.f32 v7, v2;
	v5 =	vmul.f32 v9, v5;
	v7 =	vld.idx.msk [tilespmem:v21+s10+$0x0], $0xffff;
	v0 =	vadd.f32 v8, v0  }
0x110: {  	v10 =	vld.idx.msk [tilespmem:v21+s11+$0x0], $0xffff;
	v17 =	vor.u32 s19, v51;
	v9 =	vpop (erf);
	(erf) = vpow2.f32 v11;
	v12 =	vmul.f32 v6, v12  }
0x111: {  	v8 =	vmul.f32 v6, v16;
	v16 =	vld.idx.msk [tilespmem:v23+s2+$0x0], $0xffff;
	v11 =	vsub.f32 $1.000000000e+00, v9;
	v14 =	vmul.f32 $1.442695020e+00, v22  }
0x112: {  	v15 =	vld.idx.msk [tilespmem:v21+s12+$0x0], $0xffff;
	v4 =	vadd.f32 v6, v4;
	v13 =	vmul.f32 v6, v13  }
0x113: {  	v3 =	vadd.f32 v8, v3;
	v8 =	vmul.f32 v11, v5;
	v11 =	vld.idx.msk [tilespmem:v20+s10+$0x0], $0xffff;
	(erf) = vpow2.f32 v14  }
0x114: {  	v2 =	vadd.f32 v12, v2;
	v0 =	vadd.f32 v13, v0;
	v13 =	vld.idx.msk [tilespmem:v20+s11+$0x0], $0xffff;
	v14 =	vor.u32 s19, v52;
	v12 =	vpop (erf)  }
0x115: {  	v5 =	vmul.f32 v9, v5;
	v9 =	vld.idx.msk [tilespmem:v20+s12+$0x0], $0xffff;
	v7 =	vmul.f32 v8, v7;
	v20 =	vsub.f32 $1.000000000e+00, v12  }
0x116: {  	v22 =	vor.u32 s19, v1;
	v6 =	vmul.f32 v8, v10;
	v10 =	vmul.f32 $1.442695020e+00, v16;
	v16 =	vld.idx.msk [tilespmem:v17+s2+$0x0], $0xffff  }
0x117: {  	v3 =	vadd.f32 v7, v3;
	v7 =	vmul.f32 v8, v15;
	v15 =	vmul.f32 v20, v5;
	v20 =	vld.idx.msk [tilespmem:v18+s10+$0x0], $0xffff  }
0x118: {  	v4 =	vadd.f32 v8, v4;
	v2 =	vadd.f32 v6, v2;
	v6 =	vld.idx.msk [tilespmem:v18+s11+$0x0], $0xffff;
	(erf) = vpow2.f32 v10  }
0x119: {  	v10 =	vor.u32 s19, v56;
	v0 =	vadd.f32 v7, v0;
	v7 =	vmul.f32 v15, v11;
	v8 =	vpop (erf);
	v11 =	vld.idx.msk [tilespmem:v14+s2+$0x0], $0xffff  }
0x11a: {  	v5 =	vmul.f32 v12, v5;
	v12 =	vmul.f32 v15, v13;
	v13 =	vld.idx.msk [tilespmem:v18+s12+$0x0], $0xffff;
	v18 =	vsub.f32 $1.000000000e+00, v8  }
0x11b: {  	v1 =	vld [tilespmem:$0x1FE10];
	v16 =	vmul.f32 $1.442695020e+00, v16;
	v3 =	vadd.f32 v7, v3;
	v7 =	vmul.f32 v15, v9  }
0x11c: {  	v9 =	vld.idx.msk [tilespmem:v19+s10+$0x0], $0xffff;
	v2 =	vadd.f32 v12, v2;
	v12 =	vmul.f32 v18, v5;
	v5 =	vmul.f32 v8, v5;
	v8 =	vpop (erf)  }
0x11d: {  	v4 =	vadd.f32 v15, v4;
	v18 =	vld.idx.msk [tilespmem:v19+s11+$0x0], $0xffff;
	(erf) = vpow2.f32 v16;
	v21 =	vsub.f32 $1.000000000e+00, v8  }
0x11e: {  	v16 =	vld.idx.msk [tilespmem:v10+s2+$0x0], $0xffff;
	v0 =	vadd.f32 v7, v0;
	v7 =	vmul.f32 v12, v20;
	v11 =	vmul.f32 $1.442695020e+00, v11  }
0x11f: {  	v19 =	vld.idx.msk [tilespmem:v19+s12+$0x0], $0xffff;
	v6 =	vmul.f32 v12, v6;
	v15 =	vmul.f32 v21, v5  }
0x120: {  	v20 =	vld.idx.msk [tilespmem:v22+s2+$0x0], $0xffff;
	v4 =	vadd.f32 v12, v4;
	v5 =	vmul.f32 v8, v5;
	v3 =	vadd.f32 v7, v3  }
0x121: {  	v7 =	vmul.f32 v12, v13;
	v2 =	vadd.f32 v6, v2;
	v8 =	vpop (erf);
	v6 =	vmul.f32 v15, v9;
	v9 =	vld.idx.msk [tilespmem:v23+s11+$0x0], $0xffff  }
0x122: {  	v21 =	vor.u32 s19, v1;
	v13 =	vld.idx.msk [tilespmem:v23+s10+$0x0], $0xffff;
	(erf) = vpow2.f32 v11;
	v11 =	vsub.f32 $1.000000000e+00, v8  }
0x123: {  	v1 =	vld [tilespmem:$0x1FE20];
	v16 =	vmul.f32 $1.442695020e+00, v16;
	v0 =	vadd.f32 v7, v0;
	v7 =	vmul.f32 v15, v18  }
0x124: {  	v18 =	vmul.f32 v15, v19;
	v19 =	vld.idx.msk [tilespmem:v23+s12+$0x0], $0xffff;
	v11 =	vmul.f32 v11, v5  }
0x125: {  	v12 =	vld.idx.msk [tilespmem:v17+s11+$0x0], $0xffff;
	v4 =	vadd.f32 v15, v4;
	(erf) = vpow2.f32 v16;
	v3 =	vadd.f32 v6, v3  }
0x126: {  	v15 =	vld.idx.msk [tilespmem:v17+s12+$0x0], $0xffff;
	v5 =	vmul.f32 v8, v5;
	v2 =	vadd.f32 v7, v2;
	v8 =	vmul.f32 v11, v9;
	v9 =	vpop (erf)  }
0x127: {  	v0 =	vadd.f32 v18, v0;
	v18 =	vld.idx.msk [tilespmem:v21+s2+$0x0], $0xffff;
	v7 =	vmul.f32 v11, v13;
	v13 =	vsub.f32 $1.000000000e+00, v9  }
0x128: {  	v6 =	vld.idx.msk [tilespmem:v17+s10+$0x0], $0xffff;
	v16 =	vmul.f32 $1.442695020e+00, v20;
	v20 =	vor.u32 s19, v1  }
0x129: {  	v17 =	vld.idx.msk [tilespmem:v14+s10+$0x0], $0xffff;
	v3 =	vadd.f32 v7, v3;
	v7 =	vmul.f32 v11, v19  }
0x12a: {  	v1 =	vld [tilespmem:$0x1FE40];
	(erf) = vpow2.f32 v16  }
0x12b: {  	v19 =	vld.idx.msk [tilespmem:v10+s11+$0x0], $0xffff;
	v2 =	vadd.f32 v8, v2;
	v8 =	vmul.f32 v13, v5;
	v7 =	vadd.f32 v7, v0;
	v13 =	vpop (erf)  }
0x12c: {  	v5 =	vmul.f32 v9, v5;
	v9 =	vld.idx.msk [tilespmem:v14+s11+$0x0], $0xffff;
	v16 =	vmul.f32 $1.442695020e+00, v18;
	v0 =	vsub.f32 $1.000000000e+00, v13  }
0x12d: {  	v4 =	vadd.f32 v11, v4;
	v18 =	vld.idx.msk [tilespmem:v20+s2+$0x0], $0xffff;
	v6 =	vmul.f32 v8, v6;
	v11 =	vmul.f32 v8, v12  }
0x12e: {  	v12 =	vld.idx.msk [tilespmem:v14+s12+$0x0], $0xffff;
	(erf) = vpow2.f32 v16;
	v14 =	vmul.f32 v0, v5  }
0x12f: {  	v3 =	vadd.f32 v6, v3;
	v6 =	vmul.f32 v8, v15;
	v15 =	vld.idx.msk [tilespmem:v10+s10+$0x0], $0xffff;
	v5 =	vmul.f32 v13, v5;
	v13 =	vpop (erf)  }
0x130: {  	v4 =	vadd.f32 v8, v4;
	v16 =	vld.idx.msk [tilespmem:v22+s11+$0x0], $0xffff;
	v23 =	vsub.f32 $1.000000000e+00, v13;
	v17 =	vmul.f32 v14, v17  }
0x131: {  	v2 =	vadd.f32 v11, v2;
	v7 =	vadd.f32 v6, v7;
	v6 =	vmul.f32 v14, v9;
	v9 =	vld.idx.msk [tilespmem:v10+s12+$0x0], $0xffff  }
0x132: {  	v8 =	vmul.f32 v23, v5;
	v3 =	vadd.f32 v17, v3;
	v17 =	vor.u32 s19, v1;
	v1 =	vld [tilespmem:$0x1FE50]  }
0x133: {  	v0 =	vld [tilespmem:$0x1FE30];
	v11 =	vmul.f32 v14, v12;
	v5 =	vmul.f32 v13, v5  }
0x134: {  	v10 =	vld.idx.msk [tilespmem:v22+s10+$0x0], $0xffff;
	v2 =	vadd.f32 v6, v2;
	v6 =	vmul.f32 $1.442695020e+00, v18;
	v13 =	vmul.f32 v8, v15;
	v15 =	vpop (erf)  }
0x135: {  	v18 =	vld.idx.msk [tilespmem:v22+s12+$0x0], $0xffff;
	v7 =	vadd.f32 v11, v7;
	v22 =	vsub.f32 $1.000000000e+00, v15  }
0x136: {  	v11 =	vmul.f32 v8, v19;
	(erf) = vpow2.f32 v6;
	v3 =	vadd.f32 v13, v3  }
0x137: {  	v9 =	vmul.f32 v8, v9;
	v13 =	vmul.f32 v22, v5;
	v6 =	vor.u32 s19, v1;
	v1 =	vld [tilespmem:$0x1FE60]  }
0x138: {  	v0 =	vor.u32 s19, v0;
	v2 =	vadd.f32 v11, v2;
	v5 =	vmul.f32 v15, v5  }
0x139: {  	v15 =	vpop (erf);
	v7 =	vadd.f32 v9, v7;
	v9 =	vmul.f32 v13, v10;
	v10 =	vmul.f32 v13, v16  }
0x13a: {  	v19 =	vsub.f32 $1.000000000e+00, v15  }
0x13b: {  	v2 =	vadd.f32 v10, v2  }
0x13c: {  	v10 =	vmul.f32 v19, v5;
	v5 =	vmul.f32 v15, v5;
	v15 =	vor.u32 s19, v1;
	v1 =	vld [tilespmem:$0x1FE70];
	_ =	sdelay $0x1  }
0x13d: {  	v12 =	vld.idx.msk [tilespmem:v0+s2+$0x0], $0xffff  }
0x13e: {  	v4 =	vadd.f32 v14, v4;
	v14 =	vld.idx.msk [tilespmem:v21+s10+$0x0], $0xffff  }
0x13f: {  	v11 =	vld.idx.msk [tilespmem:v21+s11+$0x0], $0xffff  }
0x140: {  	v19 =	vor.u32 s19, v1;
	v1 =	vld [tilespmem:$0x1FE80]  }
0x141: {  	v4 =	vadd.f32 v8, v4;
	v8 =	vld.idx.msk [tilespmem:v21+s12+$0x0], $0xffff  }
0x142: {  	v16 =	vld.idx.msk [tilespmem:v17+s2+$0x0], $0xffff;
	v12 =	vmul.f32 $1.442695020e+00, v12  }
0x143: {  	v3 =	vadd.f32 v9, v3;
	v9 =	vmul.f32 v10, v14  }
0x144: {  	(erf) = vpow2.f32 v12;
	v12 =	vld.idx.msk [tilespmem:v6+s2+$0x0], $0xffff  }
0x145: {  	v18 =	vmul.f32 v13, v18;
	v3 =	vadd.f32 v9, v3;
	v9 =	vor.u32 s19, v1;
	v1 =	vld [tilespmem:$0x1FE90]  }
0x146: {  	v4 =	vadd.f32 v13, v4;
	v13 =	vld.idx.msk [tilespmem:v20+s10+$0x0], $0xffff;
	v11 =	vmul.f32 v10, v11  }
0x147: {  	v7 =	vadd.f32 v18, v7;
	v18 =	vld.idx.msk [tilespmem:v20+s11+$0x0], $0xffff;
	v8 =	vmul.f32 v10, v8;
	v14 =	vpop (erf);
	v16 =	vmul.f32 $1.442695020e+00, v16  }
0x148: {  	v20 =	vld.idx.msk [tilespmem:v20+s12+$0x0], $0xffff;
	v21 =	vsub.f32 $1.000000000e+00, v14  }
0x149: {  	v2 =	vadd.f32 v11, v2;
	v7 =	vadd.f32 v8, v7;
	(erf) = vpow2.f32 v16;
	v11 =	vld.idx.msk [tilespmem:v15+s2+$0x0], $0xffff  }
0x14a: {  	v16 =	vmul.f32 v21, v5;
	v12 =	vmul.f32 $1.442695020e+00, v12;
	v8 =	vor.u32 s19, v1;
	v1 =	vld [tilespmem:$0x1FEA0];
	_ =	sdelay $0x1  }
0x14b: {  	v23 =	vld.idx.msk [tilespmem:v0+s11+$0x0], $0xffff;
	(erf) = vpow2.f32 v12;
	v12 =	vmul.f32 v16, v18  }
0x14c: {  	v10 =	vadd.f32 v10, v4;
	v5 =	vmul.f32 v14, v5;
	v14 =	vld.idx.msk [tilespmem:v19+s2+$0x0], $0xffff  }
0x14d: {  	v57 =	vmul.f32 v16, v13;
	v18 =	vmul.f32 v16, v20;
	v20 =	vld.idx.msk [tilespmem:v0+s10+$0x0], $0xffff;
	v13 =	vpop (erf);
	v12 =	vadd.f32 v12, v2  }
0x14e: {  	v2 =	vmul.f32 $1.442695020e+00, v11;
	v21 =	vsub.f32 $1.000000000e+00, v13;
	v4 =	vor.u32 s19, v1;
	v1 =	vld [tilespmem:$0x1FEB0]  }
0x14f: {  	v10 =	vadd.f32 v16, v10;
	v16 =	vor.u32 $0x3E, v33;
	v0 =	vld.idx.msk [tilespmem:v0+s12+$0x0], $0xffff;
	v7 =	vadd.f32 v18, v7  }
0x150: {  	v11 =	vld.idx.msk [tilespmem:v17+s11+$0x0], $0xffff;
	(erf) = vpow2.f32 v2;
	v2 =	vor.u32 s19, v16;
	v18 =	vmul.f32 v21, v5  }
0x151: {  	v22 =	vadd.f32 v57, v3;
	v24 =	vpop (erf);
	v21 =	vld.idx.msk [tilespmem:v9+s2+$0x0], $0xffff;
	v5 =	vmul.f32 v13, v5  }
0x152: {  	v16 =	vsub.f32 $1.000000000e+00, v24;
	v13 =	vld.idx.msk [tilespmem:v17+s10+$0x0], $0xffff;
	v14 =	vmul.f32 $1.442695020e+00, v14;
	v20 =	vmul.f32 v18, v20  }
0x153: {  	v17 =	vld.idx.msk [tilespmem:v17+s12+$0x0], $0xffff;
	v24 =	vmul.f32 v24, v5;
	v23 =	vmul.f32 v18, v23;
	v3 =	vor.u32 s19, v1  }
0x154: {  	v29 =	vor.u32 $0x3F, v33;
	v16 =	vmul.f32 v16, v5;
	v26 =	vpop (erf);
	(erf) = vpow2.f32 v14;
	v25 =	vld.idx.msk [tilespmem:v8+s2+$0x0], $0xffff  }
0x155: {  	v5 =	vor.u32 s19, v29;
	v10 =	vadd.f32 v18, v10;
	v12 =	vadd.f32 v23, v12;
	v23 =	vld.idx.msk [tilespmem:v2+s2+$0x0], $0xffff  }
0x156: {  	v0 =	vmul.f32 v18, v0;
	v20 =	vadd.f32 v20, v22;
	v21 =	vmul.f32 $1.442695020e+00, v21;
	v28 =	vld.idx.msk [tilespmem:v4+s2+$0x0], $0xffff  }
0x157: {  	v27 =	vld.idx.msk [tilespmem:v6+s10+$0x0], $0xffff;
	v11 =	vmul.f32 v16, v11;
	v10 =	vadd.f32 v16, v10;
	v13 =	vmul.f32 v16, v13  }
0x158: {  	v14 =	vsub.f32 $1.000000000e+00, v26;
	v16 =	vmul.f32 v16, v17;
	(erf) = vpow2.f32 v21;
	v21 =	vld.idx.msk [tilespmem:v3+s2+$0x0], $0xffff  }
0x159: {  	v44 =	vmovc v30;
	v30 =	vld.idx.msk [tilespmem:v6+s11+$0x0], $0xffff;
	v11 =	vadd.f32 v11, v12;
	v12 =	vmul.f32 v26, v24;
	v22 =	vmul.f32 $1.442695020e+00, v25  }
0x15a: {  	v14 =	vmul.f32 v14, v24;
	v23 =	vmul.f32 $1.442695020e+00, v23  }
0x15b: {  	v13 =	vadd.f32 v13, v20;
	v24 =	vpop (erf);
	(erf) = vpow2.f32 v22;
	v22 =	vld.idx.msk [tilespmem:v5+s2+$0x0], $0xffff;
	v20 =	vmul.f32 $1.442695020e+00, v28  }
0x15c: {  	v26 =	vsub.f32 $1.000000000e+00, v24;
	v24 =	vmul.f32 v24, v12;
	v25 =	vmul.f32 v14, v27  }
0x15d: {  	v27 =	vpop (erf);
	(erf) = vpow2.f32 v20;
	v20 =	vmul.f32 $1.442695020e+00, v21  }
0x15e: {  	v13 =	vadd.f32 v25, v13;
	v25 =	vld.idx.msk [tilespmem:v15+s10+$0x0], $0xffff;
	v29 =	vsub.f32 $1.000000000e+00, v27;
	v21 =	vmul.f32 v14, v30  }
0x15f: {  	v12 =	vmul.f32 v26, v12;
	(erf) = vpow2.f32 v20  }
0x160: {  	v28 =	vld.idx.msk [tilespmem:v19+s10+$0x0], $0xffff;
	v22 =	vmul.f32 $1.442695020e+00, v22;
	v20 =	vmul.f32 v29, v24  }
0x161: {  	v0 =	vadd.f32 v0, v7;
	v24 =	vmul.f32 v27, v24;
	v27 =	vld.idx.msk [tilespmem:v15+s11+$0x0], $0xffff;
	(erf) = vpow2.f32 v23  }
0x162: {  	v10 =	vadd.f32 v14, v10;
	v11 =	vadd.f32 v21, v11;
	v23 =	vld.idx.msk [tilespmem:v9+s10+$0x0], $0xffff;
	v21 =	vpop (erf)  }
0x163: {  	v0 =	vadd.f32 v16, v0;
	v25 =	vmul.f32 v12, v25;
	v26 =	vsub.f32 $1.000000000e+00, v21  }
0x164: {  	v6 =	vld.idx.msk [tilespmem:v6+s12+$0x0], $0xffff;
	v10 =	vadd.f32 v12, v10;
	(erf) = vpow2.f32 v22;
	v21 =	vmul.f32 v21, v24  }
0x165: {  	v13 =	vadd.f32 v25, v13;
	v29 =	vld.idx.msk [tilespmem:v19+s11+$0x0], $0xffff;
	v28 =	vmul.f32 v20, v28;
	v22 =	vpop (erf);
	v25 =	vmul.f32 v26, v24  }
0x166: {  	v18 =	vld.idx.msk [tilespmem:v8+s10+$0x0], $0xffff;
	v10 =	vadd.f32 v20, v10;
	v24 =	vsub.f32 $1.000000000e+00, v22;
	v22 =	vmul.f32 v22, v21  }
0x167: {  	v43 =	vld.idx.msk [tilespmem:v15+s12+$0x0], $0xffff;
	v13 =	vadd.f32 v28, v13;
	v27 =	vmul.f32 v12, v27;
	v26 =	vpop (erf);
	v23 =	vmul.f32 v25, v23  }
0x168: {  	v10 =	vadd.f32 v25, v10;
	v21 =	vmul.f32 v24, v21;
	v24 =	vld.idx.msk [tilespmem:v4+s10+$0x0], $0xffff;
	v28 =	vsub.f32 $1.000000000e+00, v26;
	v30 =	vpop (erf)  }
0x169: {  	v57 =	vmovc v32;
	v1 =	vmovc v31;
	v13 =	vadd.f32 v23, v13;
	v23 =	vmul.f32 v26, v22;
	v31 =	vsub.f32 $1.000000000e+00, v30  }
0x16a: {  	v29 =	vmul.f32 v20, v29;
	v10 =	vadd.f32 v21, v10;
	v26 =	vpop (erf);
	v22 =	vmul.f32 v28, v22;
	v28 =	vld.idx.msk [tilespmem:v3+s10+$0x0], $0xffff  }
0x16b: {  	v32 =	vld.idx.msk [tilespmem:v9+s11+$0x0], $0xffff;
	v15 =	vmovc v33;
	v18 =	vmul.f32 v21, v18;
	v30 =	vmul.f32 v30, v23;
	v33 =	vsub.f32 $1.000000000e+00, v26  }
0x16c: {  	v16 =	vld.idx.msk [tilespmem:v5+s11+$0x0], $0xffff;
	v11 =	vadd.f32 v27, v11;
	v10 =	vadd.f32 v22, v10;
	v23 =	vmul.f32 v31, v23  }
0x16d: {  	v13 =	vadd.f32 v18, v13;
	v18 =	vmul.f32 v22, v24;
	v24 =	vld.idx.msk [tilespmem:v2+s10+$0x0], $0xffff;
	v27 =	vmul.f32 v33, v30;
	v31 =	vpop (erf)  }
0x16e: {  	v19 =	vld.idx.msk [tilespmem:v19+s12+$0x0], $0xffff;
	v26 =	vmul.f32 v26, v30;
	v10 =	vadd.f32 v23, v10;
	v31 =	vsub.f32 $1.000000000e+00, v31  }
0x16f: {  	v7 =	vadd.f32 v29, v11;
	v13 =	vadd.f32 v18, v13;
	v18 =	vmul.f32 v23, v28;
	v28 =	vld.idx.msk [tilespmem:v5+s10+$0x0], $0xffff  }
0x170: {  	v29 =	vld [tilespmem:$0x10000];
	v10 =	vadd.f32 v27, v10;
	v26 =	vmul.f32 v31, v26;
	v31 =	vmov s18  }
0x171: {  	v33 =	vlaneseq.u32;
	v30 =	vld.idx.msk [tilespmem:v8+s11+$0x0], $0xffff;
	v11 =	vmul.u32 $0x3, v31  }
0x172: {  	v9 =	vld.idx.msk [tilespmem:v9+s12+$0x0], $0xffff;
	v13 =	vadd.f32 v18, v13;
	v18 =	vmul.f32 v27, v24;
	v10 =	vadd.f32 v26, v10  }
0x173: {  	v24 =	vmul.f32 v25, v32;
	v32 =	vmul.u32 $0x3, v33;
	v31 =	vld.idx.msk [tilespmem:v4+s11+$0x0], $0xffff;
	v11 =	vbroadcast v11, $0x0  }
0x174: {  	v8 =	vld.idx.msk [tilespmem:v8+s12+$0x0], $0xffff;
	v13 =	vadd.f32 v18, v13;
	v28 =	vmul.f32 v26, v28;
	v10 =	vsub.f32 $1.000000000e+00, v10  }
0x175: {  	v18 =	vld.idx.msk [tilespmem:v3+s11+$0x0], $0xffff;
	v7 =	vadd.f32 v24, v7;
	v17 =	vadd.s32 v32, v11  }
0x176: {  	v5 =	vld.idx.msk [tilespmem:v5+s12+$0x0], $0xffff;
	v24 =	vmul.f32 v21, v30;
	v13 =	vadd.f32 v28, v13;
	v29 =	vmul.f32 v10, v29  }
0x177: {  	v6 =	vmul.f32 v14, v6;
	v28 =	vld.idx.msk [tilespmem:v2+s11+$0x0], $0xffff  }
0x178: {  	v4 =	vld.idx.msk [tilespmem:v4+s12+$0x0], $0xffff;
	v7 =	vadd.f32 v24, v7;
	v14 =	vmul.f32 v22, v31;
	v13 =	vadd.f32 v29, v13  }
0x179: {  	v0 =	vadd.f32 v6, v0;
	v6 =	vmul.f32 v12, v43;
	v3 =	vld.idx.msk [tilespmem:v3+s12+$0x0], $0xffff  }
0x17a: {  	v2 =	vld.idx.msk [tilespmem:v2+s12+$0x0], $0xffff;
	v12 =	vmul.f32 v23, v18;
	v7 =	vadd.f32 v14, v7;
	[tilespmem:v17+s16+$0x0] =	vst.idx.msk $0xffff, v13  }
0x17b: {  	v0 =	vadd.f32 v6, v0;
	v6 =	vmul.f32 v20, v19;
	v13 =	vld [tilespmem:$0x10010]  }
0x17c: {  	v7 =	vadd.f32 v12, v7;
	v12 =	vmul.f32 v27, v28  }
0x17d: {  	v0 =	vadd.f32 v6, v0;
	v6 =	vmul.f32 v25, v9  }
0x17e: {  	v9 =	vmul.f32 v26, v16;
	v7 =	vadd.f32 v12, v7;
	v12 =	vadd.s32 $0x1, v32  }
0x17f: {  	v43 =	vld [tilespmem:$0x1FF50];
	v0 =	vadd.f32 v6, v0;
	v6 =	vadd.s32 v12, v11  }
0x180: {  	v25 =	vld [tilespmem:$0x1FF60];
	v8 =	vmul.f32 v21, v8;
	v7 =	vadd.f32 v9, v7;
	v9 =	vmul.f32 v10, v13  }
0x181: {  	v16 =	vld [tilespmem:$0x1FF20]  }
0x182: {  	v30 =	vmovc v44;
	v44 =	vld [tilespmem:$0x1FF70];
	v0 =	vadd.f32 v8, v0;
	v4 =	vmul.f32 v22, v4;
	v7 =	vadd.f32 v9, v7  }
0x183: {  	v8 =	vld [tilespmem:$0x1FF00]  }
0x184: {  	v24 =	vld [tilespmem:$0x1FFF0];
	v3 =	vmul.f32 v23, v3;
	v0 =	vadd.f32 v4, v0;
	[tilespmem:v6+s16+$0x0] =	vst.idx.msk $0xffff, v7  }
0x185: {  	v4 =	vld [tilespmem:$0x10020]  }
0x186: {  	v22 =	vld [tilespmem:$0x1FF40];
	v0 =	vadd.f32 v3, v0;
	v2 =	vmul.f32 v27, v2  }
0x187: {  	v31 =	vld [tilespmem:$0x1FF90]  }
0x188: {  	v23 =	vld [tilespmem:$0x1FF80];
	v3 =	vadd.s32 $0x2, v32;
	v0 =	vadd.f32 v2, v0;
	v2 =	vmul.f32 v26, v5  }
0x189: {  	p0 =	sne.s32 s19, $0x3C00;
	v14 =	vld [tilespmem:$0x1FFE0];
	v3 =	vadd.s32 v3, v11  }
.Ltmp0:
0x18a: {  	v29 =	vld [tilespmem:$0x1FFB0];
	v0 =	vadd.f32 v2, v0;
	v2 =	vmul.f32 v4, v10;
	(pc) =	sbr.rel @p0 .LBB2_2-.Ltmp0, $4  }
0x18b: {  	v28 =	vld [tilespmem:$0x1FFD0]  }
0x18c: {  	v27 =	vld [tilespmem:$0x1FFC0];
	v0 =	vadd.f32 v2, v0  }
0x18d: {  	v26 =	vld [tilespmem:$0x1FFA0]  }
0x18e: {  	s19 =	sadd.s32 $0x400, s19;
	v33 =	vmov v15;
	s18 =	sadd.s32 $0x10, s18;
	v32 =	vmov v57;
	v2 =	vld [tilespmem:$0x1FEC0];
	[tilespmem:v3+s16+$0x0] =	vst.idx.msk $0xffff, v0  }
0x18f: {  	s17 =	sadd.s32 $0x1, s17  }
0x190: {  	p0 =	sne.s32 s17, s9  }
.Ltmp1:
0x191: {  	_ = 	snop;
	(pc) =	sbr.rel @p0 .LBB2_1-.Ltmp1, $4  }
0x192: {  	[hbm4b:s8+s2] =	stream.linear.scatter [tilespmem:s16], [sflag:$0x2], $0x300, $0x38;
	[tilespmem:$0x10380] =	vst v63  }
0x193: {  	_ =	swait.ge [sflag:s14], $0x300  }
0x194: {  	[sflag:s14] =	ssyncset.done $0x0  }
0x195: {  	[sflag:s14] =	ssyncadd.s32 $0xFFFFFD00  }
0x196: {  	_ =	sfence.sel $0x180000  }
0x197: {  	[bflag:$0x0] =	sbarrier.arrive $0xFFFF  }
0x198: {  	p0 =	sne.s32 s0, $0x0;
	_ =	strace $0x90000047  }
0x199: {  	s0 =	sadd.s32 @!p0 $0x100000, s1;
	[bflag:$0x2] =	sbarrier.arrive $0xFFFF  }
0x19a: {  	[sflag:s0] =	ssyncadd.tile.s32 @!p0 $0x1;
	_ =	shalt  }
.Lfunc_end2:
_tile_overlayer_lowered:
.L_overlay_start_2:
0x19b: {  	(tag) =	ssettag $0x2  }
0x19c: {  	s0 =	rddreg [dreg:$0x0];
	s2 =	stileid.u32  }
0x19d: {  	s1 =	rddreg [dreg:$0x1];
	p0 =	sne.s32 s2, $0x0  }
0x19e: {  	s3 =	rddreg [dreg:$0x2];
	[bflag:$0x3] =	sbarrier.arrive $0xFFFF;
	s2 =	simm.s32 @!p0 $0x1C02  }
0x19f: {  	[timem:s3], [sflag:s2] =	dma.local @!p0 [hbm:s0], s1  }
0x1a0: {  	s0 =	simm.s32 @!p0 $0x2  }
0x1a1: {  	_ =	swait.ge @!p0 [sflag:s0], s1  }
0x1a2: {  	s1 =	ssub.s32 @!p0 $0x0, s1;
	[sflag:s0] =	ssyncset.done @!p0 $0x0  }
0x1a3: {  	[sflag:s0] =	ssyncadd.s32 @!p0 s1  }
0x1a4: {  	[bflag:$0x3] =	sbarrier.arrive $0xFFFF  }
0x1a5: {  	_ =	shalt  }

</sc_bundles>
